<compile_context>
chip_gen: v7x
topology: tpu7x:2x2x1
jax: 0.10.2.dev20260603
libtpu: 0.0.44.dev20260713+nightly
codegen_flags: <defaults>
</compile_context>

<pallas_src>
import functools

import numpy as np
import jax
import jax.numpy as jnp
from jax import lax
from jax.experimental import pallas as pl
from jax.experimental.pallas import tpu as pltpu
from jax.experimental.pallas import tpu_sc as plsc

H_IMG = 800.0
W_IMG = 1333.0
NMS_THR = 0.7
MIN_FINAL = 5
MAX_FINAL = 50
NUM_IMG = 4
NUM_INIT = 5000

_NPAD = 5120
_SEG = _NPAD // 8
_SLOT = 64
_ROUNDS = MAX_FINAL - 1
_BIGF = np.float32(2 ** 24)
_H_MIN = np.float32(H_IMG * 0.1)
_W_MIN = np.float32(W_IMG * 0.1)


def _sc_nms(a_hbm, b_hbm, c_hbm, d_hbm, ps_hbm, nb_hbm,
            ox1_hbm, oy1_hbm, ox2_hbm, oy2_hbm, cnt_hbm,
            x1_v, y1_v, x2_v, y2_v, sc_v, nb_v,
            ox1_v, oy1_v, ox2_v, oy2_v, cnt_v,
            cand_v, grp_v, ar_v, cand_sp):
    ci = lax.axis_index("c")
    si = lax.axis_index("s")
    grp = lax.shift_right_logical(si, 3)
    img = ci * 2 + grp
    slot = si & 7
    seg = slot * _SEG

    pltpu.sync_copy(a_hbm.at[img, pl.ds(seg, _SEG)], x1_v)
    pltpu.sync_copy(b_hbm.at[img, pl.ds(seg, _SEG)], y1_v)
    pltpu.sync_copy(c_hbm.at[img, pl.ds(seg, _SEG)], x2_v)
    pltpu.sync_copy(d_hbm.at[img, pl.ds(seg, _SEG)], y2_v)
    pltpu.sync_copy(ps_hbm.at[img, pl.ds(seg, _SEG)], sc_v)
    pltpu.sync_copy(nb_hbm, nb_v)

    lane = lax.iota(jnp.int32, 16)

    @plsc.parallel_loop(
        0, _SEG, step=16, unroll=8,
        carry=(jnp.full((16,), -2.0, jnp.float32),
               jnp.zeros((16,), jnp.int32)))
    def prep_carry(i, carry):
        rm, rc = carry
        s = pl.ds(i, 16)
        av = x1_v[s]
        bv = y1_v[s]
        cv = x2_v[s]
        dv = y2_v[s]
        x1 = jnp.minimum(av, cv) * W_IMG
        x2 = jnp.maximum(av, cv) * W_IMG
        y1 = jnp.minimum(bv, dv) * H_IMG
        y2 = jnp.maximum(bv, dv) * H_IMG
        bw = x2 - x1
        bh = y2 - y1
        colv = seg + i + lane
        m = (bh > _H_MIN) & (bw > _W_MIN) & (colv < NUM_INIT)
        sc = jnp.where(m, sc_v[s], -1.0)
        x1_v[s] = x1
        y1_v[s] = y1
        x2_v[s] = x2
        y2_v[s] = y2
        sc_v[s] = sc
        ar_v[s] = bw * bh
        upd = sc > rm
        return jnp.maximum(rm, sc), jnp.where(upd, i, rc)

    rm0, rc0 = prep_carry

    zf = jnp.zeros((16,), jnp.float32)
    for j in range(_SLOT // 16):
        s = pl.ds(j * 16, 16)
        ox1_v[s] = zf
        oy1_v[s] = zf
        ox2_v[s] = zf
        oy2_v[s] = zf

    nbv = nb_v[...].astype(jnp.float32)
    nf_f = jnp.sum(jnp.where(lane == img, nbv, 0.0))
    nf = jnp.clip(nf_f, np.float32(MIN_FINAL),
                  np.float32(MAX_FINAL - 1)).astype(jnp.int32)

    def round_cond(st):
        return st[0]

    def round_body(st):
        cont, r, k, act, rm, rc = st
        lmax = jnp.max(rm)
        lmax_v = jnp.full((16,), lmax, jnp.float32)
        gi_f = jnp.min(jnp.where(rm == lmax_v,
                                 (rc + lane + seg).astype(jnp.float32),
                                 _BIGF))
        gl = jnp.minimum(gi_f.astype(jnp.int32) - seg, _SEG - 1)
        gbase = lax.shift_left(lax.shift_right_logical(gl, 4), 4)
        gsel = lane == (gl & 15)
        gs = pl.ds(gbase, 16)
        x1l = jnp.full((16,), jnp.sum(jnp.where(gsel, x1_v[gs], 0.0)),
                       jnp.float32)
        y1l = jnp.full((16,), jnp.sum(jnp.where(gsel, y1_v[gs], 0.0)),
                       jnp.float32)
        x2l = jnp.full((16,), jnp.sum(jnp.where(gsel, x2_v[gs], 0.0)),
                       jnp.float32)
        y2l = jnp.full((16,), jnp.sum(jnp.where(gsel, y2_v[gs], 0.0)),
                       jnp.float32)
        cand_v[pl.ds(0, 16)] = lmax_v
        cand_v[pl.ds(16, 16)] = jnp.full((16,), gi_f, jnp.float32)
        cand_v[pl.ds(32, 16)] = x1l
        cand_v[pl.ds(48, 16)] = y1l
        cand_v[pl.ds(64, 16)] = x2l
        cand_v[pl.ds(80, 16)] = y2l
        cand_v[pl.ds(96, 16)] = jnp.where(act, jnp.full((16,), 1.0),
                                          jnp.full((16,), 0.0))

        par = r & 1
        woff = pl.multiple_of(par * 1792 + si * 112, 112)
        pltpu.sync_copy(cand_v, cand_sp.at[pl.ds(woff, 112)])
        plsc.subcore_barrier()
        roff = pl.multiple_of(par * 1792, 1792)
        pltpu.sync_copy(cand_sp.at[pl.ds(roff, 1792)], grp_v)

        gb = grp * 896
        sj = [grp_v[pl.ds(gb + j * 112, 16)] for j in range(8)]
        ij = [grp_v[pl.ds(gb + j * 112 + 16, 16)] for j in range(8)]
        wmax = sj[0]
        for j in range(1, 8):
            wmax = jnp.maximum(wmax, sj[j])
        widx = _BIGF * jnp.ones((16,), jnp.float32)
        for j in range(8):
            widx = jnp.minimum(widx, jnp.where(sj[j] == wmax, ij[j], _BIGF))
        selj = [(sj[j] == wmax) & (ij[j] == widx) for j in range(8)]

        def pick(off):
            acc = jnp.zeros((16,), jnp.float32)
            for j in range(8):
                acc = acc + jnp.where(selj[j],
                                      grp_v[pl.ds(gb + j * 112 + off, 16)],
                                      0.0)
            return acc

        x1m = pick(32)
        y1m = pick(48)
        x2m = pick(64)
        y2m = pick(80)
        am = (x2m - x1m) * (y2m - y1m)
        found = jnp.max(wmax) > -0.5

        @plsc.parallel_loop(
            0, _SEG, step=16, unroll=20,
            carry=(jnp.full((16,), -2.0, jnp.float32),
                   jnp.zeros((16,), jnp.int32)))
        def supp_carry(i, carry):
            rm2, rc2 = carry
            s = pl.ds(i, 16)
            x1 = x1_v[s]
            y1 = y1_v[s]
            x2 = x2_v[s]
            y2 = y2_v[s]
            ar = ar_v[s]
            sc = sc_v[s]
            xx1 = jnp.maximum(x1m, x1)
            yy1 = jnp.maximum(y1m, y1)
            xx2 = jnp.minimum(x2m, x2)
            yy2 = jnp.minimum(y2m, y2)
            w = jnp.maximum(0.0, xx2 - xx1)
            h = jnp.maximum(0.0, yy2 - yy1)
            inter = w * h
            iou = inter / (am + ar - inter + 1e-9)
            sc2 = jnp.where(iou > NMS_THR, -1.0, sc)
            sc_v[s] = sc2
            upd = sc2 > rm2
            return jnp.maximum(rm2, sc2), jnp.where(upd, i, rc2)

        rm3, rc3 = supp_carry

        write = found & (k < nf)

        @pl.when((slot == 0) & write)
        def _():
            kbase = lax.shift_left(lax.shift_right_logical(k, 4), 4)
            ks = pl.ds(kbase, 16)
            wsel = lane == (k & 15)
            ox1_v[ks] = jnp.where(wsel, x1m, ox1_v[ks])
            oy1_v[ks] = jnp.where(wsel, y1m, oy1_v[ks])
            ox2_v[ks] = jnp.where(wsel, x2m, ox2_v[ks])
            oy2_v[ks] = jnp.where(wsel, y2m, oy2_v[ks])

        k2 = k + jnp.where(write, 1, 0).astype(jnp.int32)
        act2 = write & (k2 < nf)

        sib = jnp.max(grp_v[pl.ds((1 - grp) * 896 + 96, 16)]) > 0.5
        cont2 = act | sib
        return cont2, r + 1, k2, act2, rm3, rc3

    _, _, k_fin, _, _, _ = lax.while_loop(
        round_cond, round_body,
        (jnp.bool_(True), jnp.int32(0), jnp.int32(0), jnp.bool_(True),
         rm0, rc0))

    @pl.when(slot == 0)
    def _():
        pltpu.sync_copy(ox1_v, ox1_hbm.at[img])
        pltpu.sync_copy(oy1_v, oy1_hbm.at[img])
        pltpu.sync_copy(ox2_v, ox2_hbm.at[img])
        pltpu.sync_copy(oy2_v, oy2_hbm.at[img])
        cnt_v[...] = jnp.full((16,), k_fin, jnp.int32)
        pltpu.sync_copy(cnt_v, cnt_hbm.at[img])


@functools.lru_cache(maxsize=1)
def _build_sc_kernel():
    mesh = plsc.VectorSubcoreMesh(core_axis_name="c", subcore_axis_name="s")
    f_out = jax.ShapeDtypeStruct((NUM_IMG, _SLOT), jnp.float32)
    i_out = jax.ShapeDtypeStruct((NUM_IMG, 16), jnp.int32)
    seg = pltpu.VMEM((_SEG,), jnp.float32)
    return pl.kernel(
        _sc_nms,
        out_type=(f_out, f_out, f_out, f_out, i_out),
        mesh=mesh,
        compiler_params=pltpu.CompilerParams(needs_layout_passes=False),
        scratch_types=[
            seg, seg, seg, seg, seg,
            pltpu.VMEM((16,), jnp.int32),
            pltpu.VMEM((_SLOT,), jnp.float32),
            pltpu.VMEM((_SLOT,), jnp.float32),
            pltpu.VMEM((_SLOT,), jnp.float32),
            pltpu.VMEM((_SLOT,), jnp.float32),
            pltpu.VMEM((16,), jnp.int32),
            pltpu.VMEM((112,), jnp.float32),
            pltpu.VMEM((1792,), jnp.float32),
            seg,
            pltpu.VMEM_SHARED((3584,), jnp.float32),
        ],
    )


def kernel(rand_boxes_init, pseudo_scores, num_of_boxes_per_img):
    pad = _NPAD - NUM_INIT
    a = jnp.pad(rand_boxes_init[..., 0], ((0, 0), (0, pad)))
    b = jnp.pad(rand_boxes_init[..., 1], ((0, 0), (0, pad)))
    c = jnp.pad(rand_boxes_init[..., 2], ((0, 0), (0, pad)))
    d = jnp.pad(rand_boxes_init[..., 3], ((0, 0), (0, pad)))
    ps = jnp.pad(pseudo_scores, ((0, 0), (0, pad)))
    nb = jnp.pad(num_of_boxes_per_img, (0, 16 - NUM_IMG))

    ox1, oy1, ox2, oy2, cnt = _build_sc_kernel()(a, b, c, d, ps, nb)

    out = jnp.stack([ox1[:, :MAX_FINAL], oy1[:, :MAX_FINAL],
                     ox2[:, :MAX_FINAL], oy2[:, :MAX_FINAL]], axis=-1)
    counts = cnt[:, 0]
    return out, counts

# --- scband reference (transcript-rebuilt; emitter-appended) ---
"""Pipeline reference for scband-rand-box-67559835566444 (READ-ONLY COPY).

The authoritative reference and input builder live on the scoring server;
editing this copy changes nothing except your own understanding.
"""

import jax, jax.numpy as jnp
import numpy as np

H_IMG, W_IMG = 800.0, 1333.0
NMS_THR = 0.7
MIN_SCALE_RATE = 0.1
MIN_FINAL = 5
MAX_FINAL = 50
NUM_IMG = 4
NUM_INIT = 5000


def setup_inputs(seed: int = 0):
    key = jax.random.key(seed)
    k1, k2, k3 = jax.random.split(key, 3)
    rand_boxes_init = jax.random.uniform(k1, (NUM_IMG, NUM_INIT, 4), dtype=jnp.float32)
    pseudo_scores = jax.random.uniform(k2, (NUM_IMG, NUM_INIT), dtype=jnp.float32)
    num_of_boxes_per_img = jax.random.randint(k3, (NUM_IMG,), 0, 50, dtype=jnp.int32)
    return {
        'rand_boxes_init': rand_boxes_init,
        'pseudo_scores': pseudo_scores,
        'num_of_boxes_per_img': num_of_boxes_per_img,
    }


def _greedy_nms(boxes, thr, init_suppressed):
    x1 = boxes[:, 0]; y1 = boxes[:, 1]; x2 = boxes[:, 2]; y2 = boxes[:, 3]
    areas = (x2 - x1) * (y2 - y1)
    n = boxes.shape[0]
    idxs = jnp.arange(n)

    def body(i, suppressed):
        alive = jnp.logical_not(suppressed[i])
        xx1 = jnp.maximum(x1[i], x1)
        yy1 = jnp.maximum(y1[i], y1)
        xx2 = jnp.minimum(x2[i], x2)
        yy2 = jnp.minimum(y2[i], y2)
        w = jnp.maximum(0.0, xx2 - xx1)
        h = jnp.maximum(0.0, yy2 - yy1)
        inter = w * h
        iou = inter / (areas[i] + areas - inter + 1e-9)
        return suppressed | (alive & (idxs > i) & (iou > thr))

    suppressed = jax.lax.fori_loop(0, n, body, init_suppressed)
    return jnp.logical_not(suppressed)


def _select_indices(rb, ps, nb):
    def one_image(rb_i, ps_i, nb_i):
        x1 = jnp.minimum(rb_i[:, 0], rb_i[:, 2]) * W_IMG
        x2 = jnp.maximum(rb_i[:, 0], rb_i[:, 2]) * W_IMG
        y1 = jnp.minimum(rb_i[:, 1], rb_i[:, 3]) * H_IMG
        y2 = jnp.maximum(rb_i[:, 1], rb_i[:, 3]) * H_IMG
        bw = x2 - x1
        bh = y2 - y1
        mask = (bh > H_IMG * MIN_SCALE_RATE) & (bw > W_IMG * MIN_SCALE_RATE)
        sort_key = jnp.where(mask, -ps_i, jnp.inf)
        perm = jnp.argsort(sort_key, stable=True)
        boxes_s = jnp.stack([x1, y1, x2, y2], axis=1)[perm]
        mask_s = mask[perm]
        keep_mask = _greedy_nms(boxes_s, NMS_THR, jnp.logical_not(mask_s))
        kept_count = jnp.sum(keep_mask).astype(jnp.int32)
        n_final = jnp.clip(nb_i, MIN_FINAL, MAX_FINAL - 1)
        count = jnp.minimum(kept_count, n_final)
        rank = jnp.cumsum(keep_mask) - 1
        write = keep_mask & (rank < n_final)
        target = jnp.where(write, rank, MAX_FINAL)
        sel = jnp.zeros((MAX_FINAL + 1,), dtype=jnp.int32).at[target].set(
            perm.astype(jnp.int32))
        sel_idx = sel[:MAX_FINAL]
        valid = (jnp.arange(MAX_FINAL) < count).astype(jnp.float32)
        return sel_idx, valid, count

    return jax.vmap(one_image)(rb, ps, nb)


def reference(rand_boxes_init, pseudo_scores, num_of_boxes_per_img):
    sel_idx, valid, counts = _select_indices(
        rand_boxes_init, pseudo_scores, num_of_boxes_per_img)
    x1 = jnp.minimum(rand_boxes_init[..., 0], rand_boxes_init[..., 2]) * W_IMG
    x2 = jnp.maximum(rand_boxes_init[..., 0], rand_boxes_init[..., 2]) * W_IMG
    y1 = jnp.minimum(rand_boxes_init[..., 1], rand_boxes_init[..., 3]) * H_IMG
    y2 = jnp.maximum(rand_boxes_init[..., 1], rand_boxes_init[..., 3]) * H_IMG
    boxes = jnp.stack([x1, y1, x2, y2], axis=-1)
    img_ids = jnp.arange(NUM_IMG)[:, None]
    gathered = boxes[img_ids, sel_idx]
    out = gathered * valid[..., None]
    return out, counts

if __name__ == "__main__":
    import jax
    _d = setup_inputs()
    print(jax.jit(kernel)(*tuple(_d.values())))

</pallas_src>

<mosaic_0001>
#map = affine_map<(d0, d1) -> (0, 0)>
#map1 = affine_map<(d0, d1) -> (0)>
module attributes {stable_mosaic.version = 14 : i64} {
  func.func @_sc_nms(%arg0: i32, %arg1: i32, %arg2: memref<4x5120xf32, #tpu.memory_space<hbm>>, %arg3: memref<4x5120xf32, #tpu.memory_space<hbm>>, %arg4: memref<4x5120xf32, #tpu.memory_space<hbm>>, %arg5: memref<4x5120xf32, #tpu.memory_space<hbm>>, %arg6: memref<4x5120xf32, #tpu.memory_space<hbm>>, %arg7: memref<16xi32, #tpu.memory_space<hbm>>, %arg8: memref<4x64xf32, #tpu.memory_space<hbm>>, %arg9: memref<4x64xf32, #tpu.memory_space<hbm>>, %arg10: memref<4x64xf32, #tpu.memory_space<hbm>>, %arg11: memref<4x64xf32, #tpu.memory_space<hbm>>, %arg12: memref<4x16xi32, #tpu.memory_space<hbm>>, %arg13: memref<640xf32, #tpu.memory_space<vmem>>, %arg14: memref<640xf32, #tpu.memory_space<vmem>>, %arg15: memref<640xf32, #tpu.memory_space<vmem>>, %arg16: memref<640xf32, #tpu.memory_space<vmem>>, %arg17: memref<640xf32, #tpu.memory_space<vmem>>, %arg18: memref<16xi32, #tpu.memory_space<vmem>>, %arg19: memref<64xf32, #tpu.memory_space<vmem>>, %arg20: memref<64xf32, #tpu.memory_space<vmem>>, %arg21: memref<64xf32, #tpu.memory_space<vmem>>, %arg22: memref<64xf32, #tpu.memory_space<vmem>>, %arg23: memref<16xi32, #tpu.memory_space<vmem>>, %arg24: memref<112xf32, #tpu.memory_space<vmem>>, %arg25: memref<1792xf32, #tpu.memory_space<vmem>>, %arg26: memref<640xf32, #tpu.memory_space<vmem>>, %arg27: memref<3584xf32, #tpu.memory_space<vmem_shared>>) attributes {dimension_semantics = [#tpu.dimension_semantics<core_parallel>, #tpu.dimension_semantics<subcore_parallel>], iteration_bounds = array<i64: 2, 16>, scalar_prefetch = 0 : i64, scratch_operands = 15 : i64, tpu.core_type = #tpu.core_type<sc_vector_subcore>, window_params = [{transform_indices = #map}, {transform_indices = #map}, {transform_indices = #map}, {transform_indices = #map}, {transform_indices = #map}, {transform_indices = #map1}, {transform_indices = #map}, {transform_indices = #map}, {transform_indices = #map}, {transform_indices = #map}, {transform_indices = #map}]} {
    %shift_right_logical3A = arith.constant 3 : i32
    %shift_right_logical3A_0 = arith.shrui %arg1, %shift_right_logical3A : i32
    %mul3A = arith.constant 2 : i32
    %mul3A_1 = arith.muli %arg0, %mul3A : i32
    %add3A = arith.addi %mul3A_1, %shift_right_logical3A_0 : i32
    %and3A = arith.constant 7 : i32
    %and3A_2 = arith.andi %arg1, %and3A : i32
    %mul3A_3 = arith.constant 640 : i32
    %mul3A_4 = arith.muli %and3A_2, %mul3A_3 : i32
    "tpu.region"() ({
      %run_scoped3A = tpu.sem_alloc : memref<!tpu.dma_semaphore, #tpu.memory_space<semaphore_mem>>
      %dma_start3A = tpu.memref_slice %arg2[%add3A, %mul3A_4] : memref<4x5120xf32, #tpu.memory_space<hbm>> -> memref<1x640xf32, #tpu.memory_space<hbm>>
      %dma_start3A_61 = tpu.memref_squeeze %dma_start3A : memref<1x640xf32, #tpu.memory_space<hbm>> -> memref<640xf32, #tpu.memory_space<hbm>>
      %dma_start3A_62 = tpu.memref_slice %arg2[%add3A, %mul3A_4] : memref<4x5120xf32, #tpu.memory_space<hbm>> -> memref<1x640xf32, #tpu.memory_space<hbm>>
      %dma_start3A_63 = tpu.memref_squeeze %dma_start3A_62 : memref<1x640xf32, #tpu.memory_space<hbm>> -> memref<640xf32, #tpu.memory_space<hbm>>
      tpu.enqueue_dma source(%dma_start3A_63 : memref<640xf32, #tpu.memory_space<hbm>>) target(%arg13 : memref<640xf32, #tpu.memory_space<vmem>>) target_semaphore(%run_scoped3A : memref<!tpu.dma_semaphore, #tpu.memory_space<semaphore_mem>>)
      %dma_wait3A = tpu.memref_slice %arg2[%add3A, %mul3A_4] : memref<4x5120xf32, #tpu.memory_space<hbm>> -> memref<1x640xf32, #tpu.memory_space<hbm>>
      %dma_wait3A_64 = tpu.memref_squeeze %dma_wait3A : memref<1x640xf32, #tpu.memory_space<hbm>> -> memref<640xf32, #tpu.memory_space<hbm>>
      %dma_wait3A_65 = tpu.memref_slice %arg2[%add3A, %mul3A_4] : memref<4x5120xf32, #tpu.memory_space<hbm>> -> memref<1x640xf32, #tpu.memory_space<hbm>>
      %dma_wait3A_66 = tpu.memref_squeeze %dma_wait3A_65 : memref<1x640xf32, #tpu.memory_space<hbm>> -> memref<640xf32, #tpu.memory_space<hbm>>
      tpu.wait_dma2 semaphore(%run_scoped3A : memref<!tpu.dma_semaphore, #tpu.memory_space<semaphore_mem>>) src(%dma_wait3A_66 : memref<640xf32, #tpu.memory_space<hbm>>) dst(%arg13 : memref<640xf32, #tpu.memory_space<vmem>>)
      tpu.yield
    }) : () -> ()
    "tpu.region"() ({
      %run_scoped3A = tpu.sem_alloc : memref<!tpu.dma_semaphore, #tpu.memory_space<semaphore_mem>>
      %dma_start3A = tpu.memref_slice %arg3[%add3A, %mul3A_4] : memref<4x5120xf32, #tpu.memory_space<hbm>> -> memref<1x640xf32, #tpu.memory_space<hbm>>
      %dma_start3A_61 = tpu.memref_squeeze %dma_start3A : memref<1x640xf32, #tpu.memory_space<hbm>> -> memref<640xf32, #tpu.memory_space<hbm>>
      %dma_start3A_62 = tpu.memref_slice %arg3[%add3A, %mul3A_4] : memref<4x5120xf32, #tpu.memory_space<hbm>> -> memref<1x640xf32, #tpu.memory_space<hbm>>
      %dma_start3A_63 = tpu.memref_squeeze %dma_start3A_62 : memref<1x640xf32, #tpu.memory_space<hbm>> -> memref<640xf32, #tpu.memory_space<hbm>>
      tpu.enqueue_dma source(%dma_start3A_63 : memref<640xf32, #tpu.memory_space<hbm>>) target(%arg14 : memref<640xf32, #tpu.memory_space<vmem>>) target_semaphore(%run_scoped3A : memref<!tpu.dma_semaphore, #tpu.memory_space<semaphore_mem>>)
      %dma_wait3A = tpu.memref_slice %arg3[%add3A, %mul3A_4] : memref<4x5120xf32, #tpu.memory_space<hbm>> -> memref<1x640xf32, #tpu.memory_space<hbm>>
      %dma_wait3A_64 = tpu.memref_squeeze %dma_wait3A : memref<1x640xf32, #tpu.memory_space<hbm>> -> memref<640xf32, #tpu.memory_space<hbm>>
      %dma_wait3A_65 = tpu.memref_slice %arg3[%add3A, %mul3A_4] : memref<4x5120xf32, #tpu.memory_space<hbm>> -> memref<1x640xf32, #tpu.memory_space<hbm>>
      %dma_wait3A_66 = tpu.memref_squeeze %dma_wait3A_65 : memref<1x640xf32, #tpu.memory_space<hbm>> -> memref<640xf32, #tpu.memory_space<hbm>>
      tpu.wait_dma2 semaphore(%run_scoped3A : memref<!tpu.dma_semaphore, #tpu.memory_space<semaphore_mem>>) src(%dma_wait3A_66 : memref<640xf32, #tpu.memory_space<hbm>>) dst(%arg14 : memref<640xf32, #tpu.memory_space<vmem>>)
      tpu.yield
    }) : () -> ()
    "tpu.region"() ({
      %run_scoped3A = tpu.sem_alloc : memref<!tpu.dma_semaphore, #tpu.memory_space<semaphore_mem>>
      %dma_start3A = tpu.memref_slice %arg4[%add3A, %mul3A_4] : memref<4x5120xf32, #tpu.memory_space<hbm>> -> memref<1x640xf32, #tpu.memory_space<hbm>>
      %dma_start3A_61 = tpu.memref_squeeze %dma_start3A : memref<1x640xf32, #tpu.memory_space<hbm>> -> memref<640xf32, #tpu.memory_space<hbm>>
      %dma_start3A_62 = tpu.memref_slice %arg4[%add3A, %mul3A_4] : memref<4x5120xf32, #tpu.memory_space<hbm>> -> memref<1x640xf32, #tpu.memory_space<hbm>>
      %dma_start3A_63 = tpu.memref_squeeze %dma_start3A_62 : memref<1x640xf32, #tpu.memory_space<hbm>> -> memref<640xf32, #tpu.memory_space<hbm>>
      tpu.enqueue_dma source(%dma_start3A_63 : memref<640xf32, #tpu.memory_space<hbm>>) target(%arg15 : memref<640xf32, #tpu.memory_space<vmem>>) target_semaphore(%run_scoped3A : memref<!tpu.dma_semaphore, #tpu.memory_space<semaphore_mem>>)
      %dma_wait3A = tpu.memref_slice %arg4[%add3A, %mul3A_4] : memref<4x5120xf32, #tpu.memory_space<hbm>> -> memref<1x640xf32, #tpu.memory_space<hbm>>
      %dma_wait3A_64 = tpu.memref_squeeze %dma_wait3A : memref<1x640xf32, #tpu.memory_space<hbm>> -> memref<640xf32, #tpu.memory_space<hbm>>
      %dma_wait3A_65 = tpu.memref_slice %arg4[%add3A, %mul3A_4] : memref<4x5120xf32, #tpu.memory_space<hbm>> -> memref<1x640xf32, #tpu.memory_space<hbm>>
      %dma_wait3A_66 = tpu.memref_squeeze %dma_wait3A_65 : memref<1x640xf32, #tpu.memory_space<hbm>> -> memref<640xf32, #tpu.memory_space<hbm>>
      tpu.wait_dma2 semaphore(%run_scoped3A : memref<!tpu.dma_semaphore, #tpu.memory_space<semaphore_mem>>) src(%dma_wait3A_66 : memref<640xf32, #tpu.memory_space<hbm>>) dst(%arg15 : memref<640xf32, #tpu.memory_space<vmem>>)
      tpu.yield
    }) : () -> ()
    "tpu.region"() ({
      %run_scoped3A = tpu.sem_alloc : memref<!tpu.dma_semaphore, #tpu.memory_space<semaphore_mem>>
      %dma_start3A = tpu.memref_slice %arg5[%add3A, %mul3A_4] : memref<4x5120xf32, #tpu.memory_space<hbm>> -> memref<1x640xf32, #tpu.memory_space<hbm>>
      %dma_start3A_61 = tpu.memref_squeeze %dma_start3A : memref<1x640xf32, #tpu.memory_space<hbm>> -> memref<640xf32, #tpu.memory_space<hbm>>
      %dma_start3A_62 = tpu.memref_slice %arg5[%add3A, %mul3A_4] : memref<4x5120xf32, #tpu.memory_space<hbm>> -> memref<1x640xf32, #tpu.memory_space<hbm>>
      %dma_start3A_63 = tpu.memref_squeeze %dma_start3A_62 : memref<1x640xf32, #tpu.memory_space<hbm>> -> memref<640xf32, #tpu.memory_space<hbm>>
      tpu.enqueue_dma source(%dma_start3A_63 : memref<640xf32, #tpu.memory_space<hbm>>) target(%arg16 : memref<640xf32, #tpu.memory_space<vmem>>) target_semaphore(%run_scoped3A : memref<!tpu.dma_semaphore, #tpu.memory_space<semaphore_mem>>)
      %dma_wait3A = tpu.memref_slice %arg5[%add3A, %mul3A_4] : memref<4x5120xf32, #tpu.memory_space<hbm>> -> memref<1x640xf32, #tpu.memory_space<hbm>>
      %dma_wait3A_64 = tpu.memref_squeeze %dma_wait3A : memref<1x640xf32, #tpu.memory_space<hbm>> -> memref<640xf32, #tpu.memory_space<hbm>>
      %dma_wait3A_65 = tpu.memref_slice %arg5[%add3A, %mul3A_4] : memref<4x5120xf32, #tpu.memory_space<hbm>> -> memref<1x640xf32, #tpu.memory_space<hbm>>
      %dma_wait3A_66 = tpu.memref_squeeze %dma_wait3A_65 : memref<1x640xf32, #tpu.memory_space<hbm>> -> memref<640xf32, #tpu.memory_space<hbm>>
      tpu.wait_dma2 semaphore(%run_scoped3A : memref<!tpu.dma_semaphore, #tpu.memory_space<semaphore_mem>>) src(%dma_wait3A_66 : memref<640xf32, #tpu.memory_space<hbm>>) dst(%arg16 : memref<640xf32, #tpu.memory_space<vmem>>)
      tpu.yield
    }) : () -> ()
    "tpu.region"() ({
      %run_scoped3A = tpu.sem_alloc : memref<!tpu.dma_semaphore, #tpu.memory_space<semaphore_mem>>
      %dma_start3A = tpu.memref_slice %arg6[%add3A, %mul3A_4] : memref<4x5120xf32, #tpu.memory_space<hbm>> -> memref<1x640xf32, #tpu.memory_space<hbm>>
      %dma_start3A_61 = tpu.memref_squeeze %dma_start3A : memref<1x640xf32, #tpu.memory_space<hbm>> -> memref<640xf32, #tpu.memory_space<hbm>>
      %dma_start3A_62 = tpu.memref_slice %arg6[%add3A, %mul3A_4] : memref<4x5120xf32, #tpu.memory_space<hbm>> -> memref<1x640xf32, #tpu.memory_space<hbm>>
      %dma_start3A_63 = tpu.memref_squeeze %dma_start3A_62 : memref<1x640xf32, #tpu.memory_space<hbm>> -> memref<640xf32, #tpu.memory_space<hbm>>
      tpu.enqueue_dma source(%dma_start3A_63 : memref<640xf32, #tpu.memory_space<hbm>>) target(%arg17 : memref<640xf32, #tpu.memory_space<vmem>>) target_semaphore(%run_scoped3A : memref<!tpu.dma_semaphore, #tpu.memory_space<semaphore_mem>>)
      %dma_wait3A = tpu.memref_slice %arg6[%add3A, %mul3A_4] : memref<4x5120xf32, #tpu.memory_space<hbm>> -> memref<1x640xf32, #tpu.memory_space<hbm>>
      %dma_wait3A_64 = tpu.memref_squeeze %dma_wait3A : memref<1x640xf32, #tpu.memory_space<hbm>> -> memref<640xf32, #tpu.memory_space<hbm>>
      %dma_wait3A_65 = tpu.memref_slice %arg6[%add3A, %mul3A_4] : memref<4x5120xf32, #tpu.memory_space<hbm>> -> memref<1x640xf32, #tpu.memory_space<hbm>>
      %dma_wait3A_66 = tpu.memref_squeeze %dma_wait3A_65 : memref<1x640xf32, #tpu.memory_space<hbm>> -> memref<640xf32, #tpu.memory_space<hbm>>
      tpu.wait_dma2 semaphore(%run_scoped3A : memref<!tpu.dma_semaphore, #tpu.memory_space<semaphore_mem>>) src(%dma_wait3A_66 : memref<640xf32, #tpu.memory_space<hbm>>) dst(%arg17 : memref<640xf32, #tpu.memory_space<vmem>>)
      tpu.yield
    }) : () -> ()
    "tpu.region"() ({
      %run_scoped3A = tpu.sem_alloc : memref<!tpu.dma_semaphore, #tpu.memory_space<semaphore_mem>>
      tpu.enqueue_dma source(%arg7 : memref<16xi32, #tpu.memory_space<hbm>>) target(%arg18 : memref<16xi32, #tpu.memory_space<vmem>>) target_semaphore(%run_scoped3A : memref<!tpu.dma_semaphore, #tpu.memory_space<semaphore_mem>>)
      tpu.wait_dma2 semaphore(%run_scoped3A : memref<!tpu.dma_semaphore, #tpu.memory_space<semaphore_mem>>) src(%arg7 : memref<16xi32, #tpu.memory_space<hbm>>) dst(%arg18 : memref<16xi32, #tpu.memory_space<vmem>>)
      tpu.yield
    }) : () -> ()
    %iota3A = tpu.iota {dimensions = array<i32: 0>} : vector<16xi32>
    %broadcast_in_dim3A = arith.constant -2.000000e+00 : f32
    %broadcast_in_dim3A_5 = vector.broadcast %broadcast_in_dim3A : f32 to vector<16xf32>
    %broadcast_in_dim3A_6 = arith.constant 0 : i32
    %broadcast_in_dim3A_7 = vector.broadcast %broadcast_in_dim3A_6 : i32 to vector<16xi32>
    %parallel_loop3A = arith.constant 0 : i32
    %parallel_loop3A_8 = arith.constant 640 : i32
    %parallel_loop3A_9 = arith.constant 16 : i32
    %parallel_loop3A_10:2 = scf.for %parallel_loop3A_61 = %parallel_loop3A to %parallel_loop3A_8 step %parallel_loop3A_9 iter_args(%parallel_loop3A_62 = %broadcast_in_dim3A_5, %parallel_loop3A_63 = %broadcast_in_dim3A_7) -> (vector<16xf32>, vector<16xi32>)  : i32 {
      %parallel_loop3A_64 = arith.index_cast %parallel_loop3A_61 : i32 to index
      %parallel_loop3A_65 = tpu.vector_load %arg13[%parallel_loop3A_64] {strides = array<i32>} : memref<640xf32, #tpu.memory_space<vmem>>, vector<16xf32>,
      %parallel_loop3A_66 = arith.index_cast %parallel_loop3A_61 : i32 to index
      %parallel_loop3A_67 = tpu.vector_load %arg14[%parallel_loop3A_66] {strides = array<i32>} : memref<640xf32, #tpu.memory_space<vmem>>, vector<16xf32>,
      %parallel_loop3A_68 = arith.index_cast %parallel_loop3A_61 : i32 to index
      %parallel_loop3A_69 = tpu.vector_load %arg15[%parallel_loop3A_68] {strides = array<i32>} : memref<640xf32, #tpu.memory_space<vmem>>, vector<16xf32>,
      %parallel_loop3A_70 = arith.index_cast %parallel_loop3A_61 : i32 to index
      %parallel_loop3A_71 = tpu.vector_load %arg16[%parallel_loop3A_70] {strides = array<i32>} : memref<640xf32, #tpu.memory_space<vmem>>, vector<16xf32>,
      %parallel_loop3A_72 = arith.minimumf %parallel_loop3A_65, %parallel_loop3A_69 : vector<16xf32>
      %parallel_loop3A_73 = arith.constant 1.333000e+03 : f32
      %parallel_loop3A_74 = vector.broadcast %parallel_loop3A_73 : f32 to vector<16xf32>
      %parallel_loop3A_75 = arith.mulf %parallel_loop3A_72, %parallel_loop3A_74 : vector<16xf32>
      %parallel_loop3A_76 = arith.maximumf %parallel_loop3A_65, %parallel_loop3A_69 : vector<16xf32>
      %parallel_loop3A_77 = arith.constant 1.333000e+03 : f32
      %parallel_loop3A_78 = vector.broadcast %parallel_loop3A_77 : f32 to vector<16xf32>
      %parallel_loop3A_79 = arith.mulf %parallel_loop3A_76, %parallel_loop3A_78 : vector<16xf32>
      %parallel_loop3A_80 = arith.minimumf %parallel_loop3A_67, %parallel_loop3A_71 : vector<16xf32>
      %parallel_loop3A_81 = arith.constant 8.000000e+02 : f32
      %parallel_loop3A_82 = vector.broadcast %parallel_loop3A_81 : f32 to vector<16xf32>
      %parallel_loop3A_83 = arith.mulf %parallel_loop3A_80, %parallel_loop3A_82 : vector<16xf32>
      %parallel_loop3A_84 = arith.maximumf %parallel_loop3A_67, %parallel_loop3A_71 : vector<16xf32>
      %parallel_loop3A_85 = arith.constant 8.000000e+02 : f32
      %parallel_loop3A_86 = vector.broadcast %parallel_loop3A_85 : f32 to vector<16xf32>
      %parallel_loop3A_87 = arith.mulf %parallel_loop3A_84, %parallel_loop3A_86 : vector<16xf32>
      %parallel_loop3A_88 = arith.subf %parallel_loop3A_79, %parallel_loop3A_75 : vector<16xf32>
      %parallel_loop3A_89 = arith.subf %parallel_loop3A_87, %parallel_loop3A_83 : vector<16xf32>
      %parallel_loop3A_90 = arith.addi %mul3A_4, %parallel_loop3A_61 : i32
      %parallel_loop3A_91 = vector.broadcast %parallel_loop3A_90 : i32 to vector<16xi32>
      %parallel_loop3A_92 = arith.addi %parallel_loop3A_91, %iota3A : vector<16xi32>
      %parallel_loop3A_93 = arith.constant 8.000000e+01 : f32
      %parallel_loop3A_94 = vector.broadcast %parallel_loop3A_93 : f32 to vector<16xf32>
      %parallel_loop3A_95 = arith.cmpf ogt, %parallel_loop3A_89, %parallel_loop3A_94 : vector<16xf32>
      %parallel_loop3A_96 = arith.constant 1.333000e+02 : f32
      %parallel_loop3A_97 = vector.broadcast %parallel_loop3A_96 : f32 to vector<16xf32>
      %parallel_loop3A_98 = arith.cmpf ogt, %parallel_loop3A_88, %parallel_loop3A_97 : vector<16xf32>
      %parallel_loop3A_99 = arith.andi %parallel_loop3A_95, %parallel_loop3A_98 : vector<16xi1>
      %parallel_loop3A_100 = arith.constant 5000 : i32
      %parallel_loop3A_101 = vector.broadcast %parallel_loop3A_100 : i32 to vector<16xi32>
      %parallel_loop3A_102 = arith.cmpi slt, %parallel_loop3A_92, %parallel_loop3A_101 : vector<16xi32>
      %parallel_loop3A_103 = arith.andi %parallel_loop3A_99, %parallel_loop3A_102 : vector<16xi1>
      %parallel_loop3A_104 = arith.index_cast %parallel_loop3A_61 : i32 to index
      %parallel_loop3A_105 = tpu.vector_load %arg17[%parallel_loop3A_104] {strides = array<i32>} : memref<640xf32, #tpu.memory_space<vmem>>, vector<16xf32>,
      %parallel_loop3A_106 = arith.constant -1.000000e+00 : f32
      %parallel_loop3A_107 = vector.broadcast %parallel_loop3A_106 : f32 to vector<16xf32>
      %parallel_loop3A_108 = arith.select %parallel_loop3A_103, %parallel_loop3A_105, %parallel_loop3A_107 : vector<16xi1>, vector<16xf32>
      %parallel_loop3A_109 = arith.index_cast %parallel_loop3A_61 : i32 to index
      %parallel_loop3A_110 = tpu.vector_load %arg13[%parallel_loop3A_109] {strides = array<i32>} : memref<640xf32, #tpu.memory_space<vmem>>, vector<16xf32>,
      tpu.vector_store %arg13[%parallel_loop3A_109], %parallel_loop3A_75 {strides = array<i32>} : memref<640xf32, #tpu.memory_space<vmem>>, vector<16xf32>,
      %parallel_loop3A_111 = arith.index_cast %parallel_loop3A_61 : i32 to index
      %parallel_loop3A_112 = tpu.vector_load %arg14[%parallel_loop3A_111] {strides = array<i32>} : memref<640xf32, #tpu.memory_space<vmem>>, vector<16xf32>,
      tpu.vector_store %arg14[%parallel_loop3A_111], %parallel_loop3A_83 {strides = array<i32>} : memref<640xf32, #tpu.memory_space<vmem>>, vector<16xf32>,
      %parallel_loop3A_113 = arith.index_cast %parallel_loop3A_61 : i32 to index
      %parallel_loop3A_114 = tpu.vector_load %arg15[%parallel_loop3A_113] {strides = array<i32>} : memref<640xf32, #tpu.memory_space<vmem>>, vector<16xf32>,
      tpu.vector_store %arg15[%parallel_loop3A_113], %parallel_loop3A_79 {strides = array<i32>} : memref<640xf32, #tpu.memory_space<vmem>>, vector<16xf32>,
      %parallel_loop3A_115 = arith.index_cast %parallel_loop3A_61 : i32 to index
      %parallel_loop3A_116 = tpu.vector_load %arg16[%parallel_loop3A_115] {strides = array<i32>} : memref<640xf32, #tpu.memory_space<vmem>>, vector<16xf32>,
      tpu.vector_store %arg16[%parallel_loop3A_115], %parallel_loop3A_87 {strides = array<i32>} : memref<640xf32, #tpu.memory_space<vmem>>, vector<16xf32>,
      %parallel_loop3A_117 = arith.index_cast %parallel_loop3A_61 : i32 to index
      %parallel_loop3A_118 = tpu.vector_load %arg17[%parallel_loop3A_117] {strides = array<i32>} : memref<640xf32, #tpu.memory_space<vmem>>, vector<16xf32>,
      tpu.vector_store %arg17[%parallel_loop3A_117], %parallel_loop3A_108 {strides = array<i32>} : memref<640xf32, #tpu.memory_space<vmem>>, vector<16xf32>,
      %parallel_loop3A_119 = arith.mulf %parallel_loop3A_88, %parallel_loop3A_89 : vector<16xf32>
      %parallel_loop3A_120 = arith.index_cast %parallel_loop3A_61 : i32 to index
      %parallel_loop3A_121 = tpu.vector_load %arg26[%parallel_loop3A_120] {strides = array<i32>} : memref<640xf32, #tpu.memory_space<vmem>>, vector<16xf32>,
      tpu.vector_store %arg26[%parallel_loop3A_120], %parallel_loop3A_119 {strides = array<i32>} : memref<640xf32, #tpu.memory_space<vmem>>, vector<16xf32>,
      %parallel_loop3A_122 = arith.cmpf ogt, %parallel_loop3A_108, %parallel_loop3A_62 : vector<16xf32>
      %parallel_loop3A_123 = arith.maximumf %parallel_loop3A_62, %parallel_loop3A_108 : vector<16xf32>
      %parallel_loop3A_124 = vector.broadcast %parallel_loop3A_61 : i32 to vector<16xi32>
      %parallel_loop3A_125 = arith.select %parallel_loop3A_122, %parallel_loop3A_124, %parallel_loop3A_63 : vector<16xi1>, vector<16xi32>
      scf.yield %parallel_loop3A_123, %parallel_loop3A_125 : vector<16xf32>, vector<16xi32>
    } {sc.loop_unroll_factor = 8 : i64, sc.parallel_access}
    %broadcast_in_dim3A_11 = arith.constant 0.000000e+00 : f32
    %broadcast_in_dim3A_12 = vector.broadcast %broadcast_in_dim3A_11 : f32 to vector<16xf32>
    %swap3A = arith.constant 0 : index
    %swap3A_13 = tpu.vector_load %arg19[%swap3A] {strides = array<i32>} : memref<64xf32, #tpu.memory_space<vmem>>, vector<16xf32>,
    tpu.vector_store %arg19[%swap3A], %broadcast_in_dim3A_12 {strides = array<i32>} : memref<64xf32, #tpu.memory_space<vmem>>, vector<16xf32>,
    %swap3A_14 = arith.constant 0 : index
    %swap3A_15 = tpu.vector_load %arg20[%swap3A_14] {strides = array<i32>} : memref<64xf32, #tpu.memory_space<vmem>>, vector<16xf32>,
    tpu.vector_store %arg20[%swap3A_14], %broadcast_in_dim3A_12 {strides = array<i32>} : memref<64xf32, #tpu.memory_space<vmem>>, vector<16xf32>,
    %swap3A_16 = arith.constant 0 : index
    %swap3A_17 = tpu.vector_load %arg21[%swap3A_16] {strides = array<i32>} : memref<64xf32, #tpu.memory_space<vmem>>, vector<16xf32>,
    tpu.vector_store %arg21[%swap3A_16], %broadcast_in_dim3A_12 {strides = array<i32>} : memref<64xf32, #tpu.memory_space<vmem>>, vector<16xf32>,
    %swap3A_18 = arith.constant 0 : index
    %swap3A_19 = tpu.vector_load %arg22[%swap3A_18] {strides = array<i32>} : memref<64xf32, #tpu.memory_space<vmem>>, vector<16xf32>,
    tpu.vector_store %arg22[%swap3A_18], %broadcast_in_dim3A_12 {strides = array<i32>} : memref<64xf32, #tpu.memory_space<vmem>>, vector<16xf32>,
    %swap3A_20 = arith.constant 16 : index
    %swap3A_21 = tpu.vector_load %arg19[%swap3A_20] {strides = array<i32>} : memref<64xf32, #tpu.memory_space<vmem>>, vector<16xf32>,
    tpu.vector_store %arg19[%swap3A_20], %broadcast_in_dim3A_12 {strides = array<i32>} : memref<64xf32, #tpu.memory_space<vmem>>, vector<16xf32>,
    %swap3A_22 = arith.constant 16 : index
    %swap3A_23 = tpu.vector_load %arg20[%swap3A_22] {strides = array<i32>} : memref<64xf32, #tpu.memory_space<vmem>>, vector<16xf32>,
    tpu.vector_store %arg20[%swap3A_22], %broadcast_in_dim3A_12 {strides = array<i32>} : memref<64xf32, #tpu.memory_space<vmem>>, vector<16xf32>,
    %swap3A_24 = arith.constant 16 : index
    %swap3A_25 = tpu.vector_load %arg21[%swap3A_24] {strides = array<i32>} : memref<64xf32, #tpu.memory_space<vmem>>, vector<16xf32>,
    tpu.vector_store %arg21[%swap3A_24], %broadcast_in_dim3A_12 {strides = array<i32>} : memref<64xf32, #tpu.memory_space<vmem>>, vector<16xf32>,
    %swap3A_26 = arith.constant 16 : index
    %swap3A_27 = tpu.vector_load %arg22[%swap3A_26] {strides = array<i32>} : memref<64xf32, #tpu.memory_space<vmem>>, vector<16xf32>,
    tpu.vector_store %arg22[%swap3A_26], %broadcast_in_dim3A_12 {strides = array<i32>} : memref<64xf32, #tpu.memory_space<vmem>>, vector<16xf32>,
    %swap3A_28 = arith.constant 32 : index
    %swap3A_29 = tpu.vector_load %arg19[%swap3A_28] {strides = array<i32>} : memref<64xf32, #tpu.memory_space<vmem>>, vector<16xf32>,
    tpu.vector_store %arg19[%swap3A_28], %broadcast_in_dim3A_12 {strides = array<i32>} : memref<64xf32, #tpu.memory_space<vmem>>, vector<16xf32>,
    %swap3A_30 = arith.constant 32 : index
    %swap3A_31 = tpu.vector_load %arg20[%swap3A_30] {strides = array<i32>} : memref<64xf32, #tpu.memory_space<vmem>>, vector<16xf32>,
    tpu.vector_store %arg20[%swap3A_30], %broadcast_in_dim3A_12 {strides = array<i32>} : memref<64xf32, #tpu.memory_space<vmem>>, vector<16xf32>,
    %swap3A_32 = arith.constant 32 : index
    %swap3A_33 = tpu.vector_load %arg21[%swap3A_32] {strides = array<i32>} : memref<64xf32, #tpu.memory_space<vmem>>, vector<16xf32>,
    tpu.vector_store %arg21[%swap3A_32], %broadcast_in_dim3A_12 {strides = array<i32>} : memref<64xf32, #tpu.memory_space<vmem>>, vector<16xf32>,
    %swap3A_34 = arith.constant 32 : index
    %swap3A_35 = tpu.vector_load %arg22[%swap3A_34] {strides = array<i32>} : memref<64xf32, #tpu.memory_space<vmem>>, vector<16xf32>,
    tpu.vector_store %arg22[%swap3A_34], %broadcast_in_dim3A_12 {strides = array<i32>} : memref<64xf32, #tpu.memory_space<vmem>>, vector<16xf32>,
    %swap3A_36 = arith.constant 48 : index
    %swap3A_37 = tpu.vector_load %arg19[%swap3A_36] {strides = array<i32>} : memref<64xf32, #tpu.memory_space<vmem>>, vector<16xf32>,
    tpu.vector_store %arg19[%swap3A_36], %broadcast_in_dim3A_12 {strides = array<i32>} : memref<64xf32, #tpu.memory_space<vmem>>, vector<16xf32>,
    %swap3A_38 = arith.constant 48 : index
    %swap3A_39 = tpu.vector_load %arg20[%swap3A_38] {strides = array<i32>} : memref<64xf32, #tpu.memory_space<vmem>>, vector<16xf32>,
    tpu.vector_store %arg20[%swap3A_38], %broadcast_in_dim3A_12 {strides = array<i32>} : memref<64xf32, #tpu.memory_space<vmem>>, vector<16xf32>,
    %swap3A_40 = arith.constant 48 : index
    %swap3A_41 = tpu.vector_load %arg21[%swap3A_40] {strides = array<i32>} : memref<64xf32, #tpu.memory_space<vmem>>, vector<16xf32>,
    tpu.vector_store %arg21[%swap3A_40], %broadcast_in_dim3A_12 {strides = array<i32>} : memref<64xf32, #tpu.memory_space<vmem>>, vector<16xf32>,
    %swap3A_42 = arith.constant 48 : index
    %swap3A_43 = tpu.vector_load %arg22[%swap3A_42] {strides = array<i32>} : memref<64xf32, #tpu.memory_space<vmem>>, vector<16xf32>,
    tpu.vector_store %arg22[%swap3A_42], %broadcast_in_dim3A_12 {strides = array<i32>} : memref<64xf32, #tpu.memory_space<vmem>>, vector<16xf32>,
    %get3A = arith.constant 0 : index
    %get3A_44 = tpu.vector_load %arg18[%get3A] {strides = array<i32>} : memref<16xi32, #tpu.memory_space<vmem>>, vector<16xi32>,
    %convert_element_type3A = arith.sitofp %get3A_44 : vector<16xi32> to vector<16xf32>
    %eq3A = vector.broadcast %add3A : i32 to vector<16xi32>
    %eq3A_45 = arith.cmpi eq, %iota3A, %eq3A : vector<16xi32>
    %jit3A = arith.constant 0.000000e+00 : f32
    %broadcast_in_dim3A_46 = vector.broadcast %jit3A : f32 to vector<16xf32>
    %select_n3A = arith.select %eq3A_45, %convert_element_type3A, %broadcast_in_dim3A_46 : vector<16xi1>, vector<16xf32>
    %reduce_sum3A = arith.constant true
    %reduce_sum3A_47 = vector.broadcast %reduce_sum3A : i1 to vector<16xi1>
    %reduce_sum3A_48 = tpu.scan <sum>, %select_n3A masked %reduce_sum3A_47 : vector<16xf32>, vector<16xi1> -> vector<16xf32>
    %reduce_sum3A_49 = vector.extract %reduce_sum3A_48[15] : f32 from vector<16xf32>
    %jit3A_50 = arith.constant 5.000000e+00 : f32
    %jit3A_51 = arith.constant 4.900000e+01 : f32
    %max3A = arith.maximumf %jit3A_50, %reduce_sum3A_49 : f32
    %min3A = arith.minimumf %jit3A_51, %max3A : f32
    %convert_element_type3A_52 = arith.fptosi %min3A : f32 to i32
    %while3A = arith.constant true
    %while3A_53 = arith.constant 0 : i32
    %while3A_54 = arith.constant 0 : i32
    %while3A_55 = arith.constant true
    %while3A_56:6 = scf.while (%while3A_61 = %while3A, %while3A_62 = %while3A_53, %while3A_63 = %while3A_54, %while3A_64 = %while3A_55, %while3A_65 = %parallel_loop3A_10#0, %while3A_66 = %parallel_loop3A_10#1) : (i1, i32, i32, i1, vector<16xf32>, vector<16xi32>) -> (i1, i32, i32, i1, vector<16xf32>, vector<16xi32>) {
      scf.condition(%while3A_61) %while3A_61, %while3A_62, %while3A_63, %while3A_64, %while3A_65, %while3A_66 : i1, i32, i32, i1, vector<16xf32>, vector<16xi32>
    } do {
    ^bb0(%while3A_61: i1, %while3A_62: i32, %while3A_63: i32, %while3A_64: i1, %while3A_65: vector<16xf32>, %while3A_66: vector<16xi32>):
      %reduce_max3A = arith.constant true
      %reduce_max3A_67 = vector.broadcast %reduce_max3A : i1 to vector<16xi1>
      %reduce_max3A_68 = tpu.scan <max>, %while3A_65 masked %reduce_max3A_67 : vector<16xf32>, vector<16xi1> -> vector<16xf32>
      %reduce_max3A_69 = vector.extract %reduce_max3A_68[15] : f32 from vector<16xf32>
      %broadcast_in_dim3A_70 = vector.broadcast %reduce_max3A_69 : f32 to vector<16xf32>
      %eq3A_71 = arith.cmpf oeq, %while3A_65, %broadcast_in_dim3A_70 : vector<16xf32>
      %add3A_72 = arith.addi %while3A_66, %iota3A : vector<16xi32>
      %add3A_73 = vector.broadcast %mul3A_4 : i32 to vector<16xi32>
      %add3A_74 = arith.addi %add3A_72, %add3A_73 : vector<16xi32>
      %convert_element_type3A_75 = arith.sitofp %add3A_74 : vector<16xi32> to vector<16xf32>
      %jit3A_76 = arith.constant 0x4B800000 : f32
      %broadcast_in_dim3A_77 = vector.broadcast %jit3A_76 : f32 to vector<16xf32>
      %select_n3A_78 = arith.select %eq3A_71, %convert_element_type3A_75, %broadcast_in_dim3A_77 : vector<16xi1>, vector<16xf32>
      %reduce_min3A = arith.constant true
      %reduce_min3A_79 = vector.broadcast %reduce_min3A : i1 to vector<16xi1>
      %reduce_min3A_80 = tpu.scan <min>, %select_n3A_78 masked %reduce_min3A_79 : vector<16xf32>, vector<16xi1> -> vector<16xf32>
      %reduce_min3A_81 = vector.extract %reduce_min3A_80[15] : f32 from vector<16xf32>
      %convert_element_type3A_82 = arith.fptosi %reduce_min3A_81 : f32 to i32
      %sub3A = arith.subi %convert_element_type3A_82, %mul3A_4 : i32
      %min3A_83 = arith.constant 639 : i32
      %min3A_84 = arith.minsi %sub3A, %min3A_83 : i32
      %shift_right_logical3A_85 = arith.constant 4 : i32
      %shift_right_logical3A_86 = arith.shrui %min3A_84, %shift_right_logical3A_85 : i32
      %shift_left3A = arith.constant 4 : i32
      %shift_left3A_87 = arith.shli %shift_right_logical3A_86, %shift_left3A : i32
      %and3A_88 = arith.constant 15 : i32
      %and3A_89 = arith.andi %min3A_84, %and3A_88 : i32
      %eq3A_90 = vector.broadcast %and3A_89 : i32 to vector<16xi32>
      %eq3A_91 = arith.cmpi eq, %iota3A, %eq3A_90 : vector<16xi32>
      %get3A_92 = arith.index_cast %shift_left3A_87 : i32 to index
      %get3A_93 = tpu.vector_load %arg13[%get3A_92] {strides = array<i32>} : memref<640xf32, #tpu.memory_space<vmem>>, vector<16xf32>,
      %jit3A_94 = arith.constant 0.000000e+00 : f32
      %broadcast_in_dim3A_95 = vector.broadcast %jit3A_94 : f32 to vector<16xf32>
      %select_n3A_96 = arith.select %eq3A_91, %get3A_93, %broadcast_in_dim3A_95 : vector<16xi1>, vector<16xf32>
      %reduce_sum3A_97 = arith.constant true
      %reduce_sum3A_98 = vector.broadcast %reduce_sum3A_97 : i1 to vector<16xi1>
      %reduce_sum3A_99 = tpu.scan <sum>, %select_n3A_96 masked %reduce_sum3A_98 : vector<16xf32>, vector<16xi1> -> vector<16xf32>
      %reduce_sum3A_100 = vector.extract %reduce_sum3A_99[15] : f32 from vector<16xf32>
      %broadcast_in_dim3A_101 = vector.broadcast %reduce_sum3A_100 : f32 to vector<16xf32>
      %get3A_102 = arith.index_cast %shift_left3A_87 : i32 to index
      %get3A_103 = tpu.vector_load %arg14[%get3A_102] {strides = array<i32>} : memref<640xf32, #tpu.memory_space<vmem>>, vector<16xf32>,
      %jit3A_104 = arith.constant 0.000000e+00 : f32
      %broadcast_in_dim3A_105 = vector.broadcast %jit3A_104 : f32 to vector<16xf32>
      %select_n3A_106 = arith.select %eq3A_91, %get3A_103, %broadcast_in_dim3A_105 : vector<16xi1>, vector<16xf32>
      %reduce_sum3A_107 = arith.constant true
      %reduce_sum3A_108 = vector.broadcast %reduce_sum3A_107 : i1 to vector<16xi1>
      %reduce_sum3A_109 = tpu.scan <sum>, %select_n3A_106 masked %reduce_sum3A_108 : vector<16xf32>, vector<16xi1> -> vector<16xf32>
      %reduce_sum3A_110 = vector.extract %reduce_sum3A_109[15] : f32 from vector<16xf32>
      %broadcast_in_dim3A_111 = vector.broadcast %reduce_sum3A_110 : f32 to vector<16xf32>
      %get3A_112 = arith.index_cast %shift_left3A_87 : i32 to index
      %get3A_113 = tpu.vector_load %arg15[%get3A_112] {strides = array<i32>} : memref<640xf32, #tpu.memory_space<vmem>>, vector<16xf32>,
      %jit3A_114 = arith.constant 0.000000e+00 : f32
      %broadcast_in_dim3A_115 = vector.broadcast %jit3A_114 : f32 to vector<16xf32>
      %select_n3A_116 = arith.select %eq3A_91, %get3A_113, %broadcast_in_dim3A_115 : vector<16xi1>, vector<16xf32>
      %reduce_sum3A_117 = arith.constant true
      %reduce_sum3A_118 = vector.broadcast %reduce_sum3A_117 : i1 to vector<16xi1>
      %reduce_sum3A_119 = tpu.scan <sum>, %select_n3A_116 masked %reduce_sum3A_118 : vector<16xf32>, vector<16xi1> -> vector<16xf32>
      %reduce_sum3A_120 = vector.extract %reduce_sum3A_119[15] : f32 from vector<16xf32>
      %broadcast_in_dim3A_121 = vector.broadcast %reduce_sum3A_120 : f32 to vector<16xf32>
      %get3A_122 = arith.index_cast %shift_left3A_87 : i32 to index
      %get3A_123 = tpu.vector_load %arg16[%get3A_122] {strides = array<i32>} : memref<640xf32, #tpu.memory_space<vmem>>, vector<16xf32>,
      %jit3A_124 = arith.constant 0.000000e+00 : f32
      %broadcast_in_dim3A_125 = vector.broadcast %jit3A_124 : f32 to vector<16xf32>
      %select_n3A_126 = arith.select %eq3A_91, %get3A_123, %broadcast_in_dim3A_125 : vector<16xi1>, vector<16xf32>
      %reduce_sum3A_127 = arith.constant true
      %reduce_sum3A_128 = vector.broadcast %reduce_sum3A_127 : i1 to vector<16xi1>
      %reduce_sum3A_129 = tpu.scan <sum>, %select_n3A_126 masked %reduce_sum3A_128 : vector<16xf32>, vector<16xi1> -> vector<16xf32>
      %reduce_sum3A_130 = vector.extract %reduce_sum3A_129[15] : f32 from vector<16xf32>
      %broadcast_in_dim3A_131 = vector.broadcast %reduce_sum3A_130 : f32 to vector<16xf32>
      %swap3A_132 = arith.constant 0 : index
      %swap3A_133 = tpu.vector_load %arg24[%swap3A_132] {strides = array<i32>} : memref<112xf32, #tpu.memory_space<vmem>>, vector<16xf32>,
      tpu.vector_store %arg24[%swap3A_132], %broadcast_in_dim3A_70 {strides = array<i32>} : memref<112xf32, #tpu.memory_space<vmem>>, vector<16xf32>,
      %broadcast_in_dim3A_134 = vector.broadcast %reduce_min3A_81 : f32 to vector<16xf32>
      %swap3A_135 = arith.constant 16 : index
      %swap3A_136 = tpu.vector_load %arg24[%swap3A_135] {strides = array<i32>} : memref<112xf32, #tpu.memory_space<vmem>>, vector<16xf32>,
      tpu.vector_store %arg24[%swap3A_135], %broadcast_in_dim3A_134 {strides = array<i32>} : memref<112xf32, #tpu.memory_space<vmem>>, vector<16xf32>,
      %swap3A_137 = arith.constant 32 : index
      %swap3A_138 = tpu.vector_load %arg24[%swap3A_137] {strides = array<i32>} : memref<112xf32, #tpu.memory_space<vmem>>, vector<16xf32>,
      tpu.vector_store %arg24[%swap3A_137], %broadcast_in_dim3A_101 {strides = array<i32>} : memref<112xf32, #tpu.memory_space<vmem>>, vector<16xf32>,
      %swap3A_139 = arith.constant 48 : index
      %swap3A_140 = tpu.vector_load %arg24[%swap3A_139] {strides = array<i32>} : memref<112xf32, #tpu.memory_space<vmem>>, vector<16xf32>,
      tpu.vector_store %arg24[%swap3A_139], %broadcast_in_dim3A_111 {strides = array<i32>} : memref<112xf32, #tpu.memory_space<vmem>>, vector<16xf32>,
      %swap3A_141 = arith.constant 64 : index
      %swap3A_142 = tpu.vector_load %arg24[%swap3A_141] {strides = array<i32>} : memref<112xf32, #tpu.memory_space<vmem>>, vector<16xf32>,
      tpu.vector_store %arg24[%swap3A_141], %broadcast_in_dim3A_121 {strides = array<i32>} : memref<112xf32, #tpu.memory_space<vmem>>, vector<16xf32>,
      %swap3A_143 = arith.constant 80 : index
      %swap3A_144 = tpu.vector_load %arg24[%swap3A_143] {strides = array<i32>} : memref<112xf32, #tpu.memory_space<vmem>>, vector<16xf32>,
      tpu.vector_store %arg24[%swap3A_143], %broadcast_in_dim3A_131 {strides = array<i32>} : memref<112xf32, #tpu.memory_space<vmem>>, vector<16xf32>,
      %broadcast_in_dim3A_145 = arith.constant 1.000000e+00 : f32
      %broadcast_in_dim3A_146 = vector.broadcast %broadcast_in_dim3A_145 : f32 to vector<16xf32>
      %broadcast_in_dim3A_147 = arith.constant 0.000000e+00 : f32
      %broadcast_in_dim3A_148 = vector.broadcast %broadcast_in_dim3A_147 : f32 to vector<16xf32>
      %select_n3A_149 = arith.select %while3A_64, %broadcast_in_dim3A_146, %broadcast_in_dim3A_148 : vector<16xf32>
      %swap3A_150 = arith.constant 96 : index
      %swap3A_151 = tpu.vector_load %arg24[%swap3A_150] {strides = array<i32>} : memref<112xf32, #tpu.memory_space<vmem>>, vector<16xf32>,
      tpu.vector_store %arg24[%swap3A_150], %select_n3A_149 {strides = array<i32>} : memref<112xf32, #tpu.memory_space<vmem>>, vector<16xf32>,
      %and3A_152 = arith.constant 1 : i32
      %and3A_153 = arith.andi %while3A_62, %and3A_152 : i32
      %mul3A_154 = arith.constant 1792 : i32
      %mul3A_155 = arith.muli %and3A_153, %mul3A_154 : i32
      %mul3A_156 = arith.constant 112 : i32
      %mul3A_157 = arith.muli %arg1, %mul3A_156 : i32
      %add3A_158 = arith.addi %mul3A_155, %mul3A_157 : i32
      %multiple_of3A = tpu.assume_multiple %add3A_158, 112 : i32
      "tpu.region"() ({
        %run_scoped3A = tpu.sem_alloc : memref<!tpu.dma_semaphore, #tpu.memory_space<semaphore_mem>>
        %dma_start3A = tpu.memref_slice %arg27[%multiple_of3A] : memref<3584xf32, #tpu.memory_space<vmem_shared>> -> memref<112xf32, #tpu.memory_space<vmem_shared>>
        %dma_start3A_693 = tpu.memref_slice %arg27[%multiple_of3A] : memref<3584xf32, #tpu.memory_space<vmem_shared>> -> memref<112xf32, #tpu.memory_space<vmem_shared>>
        tpu.enqueue_dma source(%arg24 : memref<112xf32, #tpu.memory_space<vmem>>) target(%dma_start3A_693 : memref<112xf32, #tpu.memory_space<vmem_shared>>) target_semaphore(%run_scoped3A : memref<!tpu.dma_semaphore, #tpu.memory_space<semaphore_mem>>)
        %dma_wait3A = tpu.memref_slice %arg27[%multiple_of3A] : memref<3584xf32, #tpu.memory_space<vmem_shared>> -> memref<112xf32, #tpu.memory_space<vmem_shared>>
        %dma_wait3A_694 = tpu.memref_slice %arg27[%multiple_of3A] : memref<3584xf32, #tpu.memory_space<vmem_shared>> -> memref<112xf32, #tpu.memory_space<vmem_shared>>
        tpu.wait_dma2 semaphore(%run_scoped3A : memref<!tpu.dma_semaphore, #tpu.memory_space<semaphore_mem>>) src(%arg24 : memref<112xf32, #tpu.memory_space<vmem>>) dst(%dma_wait3A_694 : memref<112xf32, #tpu.memory_space<vmem_shared>>)
        tpu.yield
      }) : () -> ()
      %barrier3A = arith.constant 0 : index
      tpu.barrier barrier_id(%barrier3A)
      %mul3A_159 = arith.constant 1792 : i32
      %mul3A_160 = arith.muli %and3A_153, %mul3A_159 : i32
      %multiple_of3A_161 = tpu.assume_multiple %mul3A_160, 1792 : i32
      "tpu.region"() ({
        %run_scoped3A = tpu.sem_alloc : memref<!tpu.dma_semaphore, #tpu.memory_space<semaphore_mem>>
        %dma_start3A = tpu.memref_slice %arg27[%multiple_of3A_161] : memref<3584xf32, #tpu.memory_space<vmem_shared>> -> memref<1792xf32, #tpu.memory_space<vmem_shared>>
        %dma_start3A_693 = tpu.memref_slice %arg27[%multiple_of3A_161] : memref<3584xf32, #tpu.memory_space<vmem_shared>> -> memref<1792xf32, #tpu.memory_space<vmem_shared>>
        tpu.enqueue_dma source(%dma_start3A_693 : memref<1792xf32, #tpu.memory_space<vmem_shared>>) target(%arg25 : memref<1792xf32, #tpu.memory_space<vmem>>) target_semaphore(%run_scoped3A : memref<!tpu.dma_semaphore, #tpu.memory_space<semaphore_mem>>)
        %dma_wait3A = tpu.memref_slice %arg27[%multiple_of3A_161] : memref<3584xf32, #tpu.memory_space<vmem_shared>> -> memref<1792xf32, #tpu.memory_space<vmem_shared>>
        %dma_wait3A_694 = tpu.memref_slice %arg27[%multiple_of3A_161] : memref<3584xf32, #tpu.memory_space<vmem_shared>> -> memref<1792xf32, #tpu.memory_space<vmem_shared>>
        tpu.wait_dma2 semaphore(%run_scoped3A : memref<!tpu.dma_semaphore, #tpu.memory_space<semaphore_mem>>) src(%dma_wait3A_694 : memref<1792xf32, #tpu.memory_space<vmem_shared>>) dst(%arg25 : memref<1792xf32, #tpu.memory_space<vmem>>)
        tpu.yield
      }) : () -> ()
      %mul3A_162 = arith.constant 896 : i32
      %mul3A_163 = arith.muli %shift_right_logical3A_0, %mul3A_162 : i32
      %add3A_164 = arith.constant 0 : i32
      %add3A_165 = arith.addi %mul3A_163, %add3A_164 : i32
      %get3A_166 = arith.index_cast %add3A_165 : i32 to index
      %get3A_167 = tpu.vector_load %arg25[%get3A_166] {strides = array<i32>} : memref<1792xf32, #tpu.memory_space<vmem>>, vector<16xf32>,
      %add3A_168 = arith.constant 112 : i32
      %add3A_169 = arith.addi %mul3A_163, %add3A_168 : i32
      %get3A_170 = arith.index_cast %add3A_169 : i32 to index
      %get3A_171 = tpu.vector_load %arg25[%get3A_170] {strides = array<i32>} : memref<1792xf32, #tpu.memory_space<vmem>>, vector<16xf32>,
      %add3A_172 = arith.constant 224 : i32
      %add3A_173 = arith.addi %mul3A_163, %add3A_172 : i32
      %get3A_174 = arith.index_cast %add3A_173 : i32 to index
      %get3A_175 = tpu.vector_load %arg25[%get3A_174] {strides = array<i32>} : memref<1792xf32, #tpu.memory_space<vmem>>, vector<16xf32>,
      %add3A_176 = arith.constant 336 : i32
      %add3A_177 = arith.addi %mul3A_163, %add3A_176 : i32
      %get3A_178 = arith.index_cast %add3A_177 : i32 to index
      %get3A_179 = tpu.vector_load %arg25[%get3A_178] {strides = array<i32>} : memref<1792xf32, #tpu.memory_space<vmem>>, vector<16xf32>,
      %add3A_180 = arith.constant 448 : i32
      %add3A_181 = arith.addi %mul3A_163, %add3A_180 : i32
      %get3A_182 = arith.index_cast %add3A_181 : i32 to index
      %get3A_183 = tpu.vector_load %arg25[%get3A_182] {strides = array<i32>} : memref<1792xf32, #tpu.memory_space<vmem>>, vector<16xf32>,
      %add3A_184 = arith.constant 560 : i32
      %add3A_185 = arith.addi %mul3A_163, %add3A_184 : i32
      %get3A_186 = arith.index_cast %add3A_185 : i32 to index
      %get3A_187 = tpu.vector_load %arg25[%get3A_186] {strides = array<i32>} : memref<1792xf32, #tpu.memory_space<vmem>>, vector<16xf32>,
      %add3A_188 = arith.constant 672 : i32
      %add3A_189 = arith.addi %mul3A_163, %add3A_188 : i32
      %get3A_190 = arith.index_cast %add3A_189 : i32 to index
      %get3A_191 = tpu.vector_load %arg25[%get3A_190] {strides = array<i32>} : memref<1792xf32, #tpu.memory_space<vmem>>, vector<16xf32>,
      %add3A_192 = arith.constant 784 : i32
      %add3A_193 = arith.addi %mul3A_163, %add3A_192 : i32
      %get3A_194 = arith.index_cast %add3A_193 : i32 to index
      %get3A_195 = tpu.vector_load %arg25[%get3A_194] {strides = array<i32>} : memref<1792xf32, #tpu.memory_space<vmem>>, vector<16xf32>,
      %add3A_196 = arith.constant 0 : i32
      %add3A_197 = arith.addi %mul3A_163, %add3A_196 : i32
      %add3A_198 = arith.constant 16 : i32
      %add3A_199 = arith.addi %add3A_197, %add3A_198 : i32
      %get3A_200 = arith.index_cast %add3A_199 : i32 to index
      %get3A_201 = tpu.vector_load %arg25[%get3A_200] {strides = array<i32>} : memref<1792xf32, #tpu.memory_space<vmem>>, vector<16xf32>,
      %add3A_202 = arith.constant 112 : i32
      %add3A_203 = arith.addi %mul3A_163, %add3A_202 : i32
      %add3A_204 = arith.constant 16 : i32
      %add3A_205 = arith.addi %add3A_203, %add3A_204 : i32
      %get3A_206 = arith.index_cast %add3A_205 : i32 to index
      %get3A_207 = tpu.vector_load %arg25[%get3A_206] {strides = array<i32>} : memref<1792xf32, #tpu.memory_space<vmem>>, vector<16xf32>,
      %add3A_208 = arith.constant 224 : i32
      %add3A_209 = arith.addi %mul3A_163, %add3A_208 : i32
      %add3A_210 = arith.constant 16 : i32
      %add3A_211 = arith.addi %add3A_209, %add3A_210 : i32
      %get3A_212 = arith.index_cast %add3A_211 : i32 to index
      %get3A_213 = tpu.vector_load %arg25[%get3A_212] {strides = array<i32>} : memref<1792xf32, #tpu.memory_space<vmem>>, vector<16xf32>,
      %add3A_214 = arith.constant 336 : i32
      %add3A_215 = arith.addi %mul3A_163, %add3A_214 : i32
      %add3A_216 = arith.constant 16 : i32
      %add3A_217 = arith.addi %add3A_215, %add3A_216 : i32
      %get3A_218 = arith.index_cast %add3A_217 : i32 to index
      %get3A_219 = tpu.vector_load %arg25[%get3A_218] {strides = array<i32>} : memref<1792xf32, #tpu.memory_space<vmem>>, vector<16xf32>,
      %add3A_220 = arith.constant 448 : i32
      %add3A_221 = arith.addi %mul3A_163, %add3A_220 : i32
      %add3A_222 = arith.constant 16 : i32
      %add3A_223 = arith.addi %add3A_221, %add3A_222 : i32
      %get3A_224 = arith.index_cast %add3A_223 : i32 to index
      %get3A_225 = tpu.vector_load %arg25[%get3A_224] {strides = array<i32>} : memref<1792xf32, #tpu.memory_space<vmem>>, vector<16xf32>,
      %add3A_226 = arith.constant 560 : i32
      %add3A_227 = arith.addi %mul3A_163, %add3A_226 : i32
      %add3A_228 = arith.constant 16 : i32
      %add3A_229 = arith.addi %add3A_227, %add3A_228 : i32
      %get3A_230 = arith.index_cast %add3A_229 : i32 to index
      %get3A_231 = tpu.vector_load %arg25[%get3A_230] {strides = array<i32>} : memref<1792xf32, #tpu.memory_space<vmem>>, vector<16xf32>,
      %add3A_232 = arith.constant 672 : i32
      %add3A_233 = arith.addi %mul3A_163, %add3A_232 : i32
      %add3A_234 = arith.constant 16 : i32
      %add3A_235 = arith.addi %add3A_233, %add3A_234 : i32
      %get3A_236 = arith.index_cast %add3A_235 : i32 to index
      %get3A_237 = tpu.vector_load %arg25[%get3A_236] {strides = array<i32>} : memref<1792xf32, #tpu.memory_space<vmem>>, vector<16xf32>,
      %add3A_238 = arith.constant 784 : i32
      %add3A_239 = arith.addi %mul3A_163, %add3A_238 : i32
      %add3A_240 = arith.constant 16 : i32
      %add3A_241 = arith.addi %add3A_239, %add3A_240 : i32
      %get3A_242 = arith.index_cast %add3A_241 : i32 to index
      %get3A_243 = tpu.vector_load %arg25[%get3A_242] {strides = array<i32>} : memref<1792xf32, #tpu.memory_space<vmem>>, vector<16xf32>,
      %max3A_244 = arith.maximumf %get3A_167, %get3A_171 : vector<16xf32>
      %max3A_245 = arith.maximumf %max3A_244, %get3A_175 : vector<16xf32>
      %max3A_246 = arith.maximumf %max3A_245, %get3A_179 : vector<16xf32>
      %max3A_247 = arith.maximumf %max3A_246, %get3A_183 : vector<16xf32>
      %max3A_248 = arith.maximumf %max3A_247, %get3A_187 : vector<16xf32>
      %max3A_249 = arith.maximumf %max3A_248, %get3A_191 : vector<16xf32>
      %max3A_250 = arith.maximumf %max3A_249, %get3A_195 : vector<16xf32>
      %broadcast_in_dim3A_251 = arith.constant 1.000000e+00 : f32
      %broadcast_in_dim3A_252 = vector.broadcast %broadcast_in_dim3A_251 : f32 to vector<16xf32>
      %mul3A_253 = arith.constant 0x4B800000 : f32
      %mul3A_254 = vector.broadcast %mul3A_253 : f32 to vector<16xf32>
      %mul3A_255 = arith.mulf %mul3A_254, %broadcast_in_dim3A_252 : vector<16xf32>
      %eq3A_256 = arith.cmpf oeq, %get3A_167, %max3A_250 : vector<16xf32>
      %jit3A_257 = arith.constant 0x4B800000 : f32
      %broadcast_in_dim3A_258 = vector.broadcast %jit3A_257 : f32 to vector<16xf32>
      %select_n3A_259 = arith.select %eq3A_256, %get3A_201, %broadcast_in_dim3A_258 : vector<16xi1>, vector<16xf32>
      %min3A_260 = arith.minimumf %mul3A_255, %select_n3A_259 : vector<16xf32>
      %eq3A_261 = arith.cmpf oeq, %get3A_171, %max3A_250 : vector<16xf32>
      %jit3A_262 = arith.constant 0x4B800000 : f32
      %broadcast_in_dim3A_263 = vector.broadcast %jit3A_262 : f32 to vector<16xf32>
      %select_n3A_264 = arith.select %eq3A_261, %get3A_207, %broadcast_in_dim3A_263 : vector<16xi1>, vector<16xf32>
      %min3A_265 = arith.minimumf %min3A_260, %select_n3A_264 : vector<16xf32>
      %eq3A_266 = arith.cmpf oeq, %get3A_175, %max3A_250 : vector<16xf32>
      %jit3A_267 = arith.constant 0x4B800000 : f32
      %broadcast_in_dim3A_268 = vector.broadcast %jit3A_267 : f32 to vector<16xf32>
      %select_n3A_269 = arith.select %eq3A_266, %get3A_213, %broadcast_in_dim3A_268 : vector<16xi1>, vector<16xf32>
      %min3A_270 = arith.minimumf %min3A_265, %select_n3A_269 : vector<16xf32>
      %eq3A_271 = arith.cmpf oeq, %get3A_179, %max3A_250 : vector<16xf32>
      %jit3A_272 = arith.constant 0x4B800000 : f32
      %broadcast_in_dim3A_273 = vector.broadcast %jit3A_272 : f32 to vector<16xf32>
      %select_n3A_274 = arith.select %eq3A_271, %get3A_219, %broadcast_in_dim3A_273 : vector<16xi1>, vector<16xf32>
      %min3A_275 = arith.minimumf %min3A_270, %select_n3A_274 : vector<16xf32>
      %eq3A_276 = arith.cmpf oeq, %get3A_183, %max3A_250 : vector<16xf32>
      %jit3A_277 = arith.constant 0x4B800000 : f32
      %broadcast_in_dim3A_278 = vector.broadcast %jit3A_277 : f32 to vector<16xf32>
      %select_n3A_279 = arith.select %eq3A_276, %get3A_225, %broadcast_in_dim3A_278 : vector<16xi1>, vector<16xf32>
      %min3A_280 = arith.minimumf %min3A_275, %select_n3A_279 : vector<16xf32>
      %eq3A_281 = arith.cmpf oeq, %get3A_187, %max3A_250 : vector<16xf32>
      %jit3A_282 = arith.constant 0x4B800000 : f32
      %broadcast_in_dim3A_283 = vector.broadcast %jit3A_282 : f32 to vector<16xf32>
      %select_n3A_284 = arith.select %eq3A_281, %get3A_231, %broadcast_in_dim3A_283 : vector<16xi1>, vector<16xf32>
      %min3A_285 = arith.minimumf %min3A_280, %select_n3A_284 : vector<16xf32>
      %eq3A_286 = arith.cmpf oeq, %get3A_191, %max3A_250 : vector<16xf32>
      %jit3A_287 = arith.constant 0x4B800000 : f32
      %broadcast_in_dim3A_288 = vector.broadcast %jit3A_287 : f32 to vector<16xf32>
      %select_n3A_289 = arith.select %eq3A_286, %get3A_237, %broadcast_in_dim3A_288 : vector<16xi1>, vector<16xf32>
      %min3A_290 = arith.minimumf %min3A_285, %select_n3A_289 : vector<16xf32>
      %eq3A_291 = arith.cmpf oeq, %get3A_195, %max3A_250 : vector<16xf32>
      %jit3A_292 = arith.constant 0x4B800000 : f32
      %broadcast_in_dim3A_293 = vector.broadcast %jit3A_292 : f32 to vector<16xf32>
      %select_n3A_294 = arith.select %eq3A_291, %get3A_243, %broadcast_in_dim3A_293 : vector<16xi1>, vector<16xf32>
      %min3A_295 = arith.minimumf %min3A_290, %select_n3A_294 : vector<16xf32>
      %eq3A_296 = arith.cmpf oeq, %get3A_167, %max3A_250 : vector<16xf32>
      %eq3A_297 = arith.cmpf oeq, %get3A_201, %min3A_295 : vector<16xf32>
      %and3A_298 = arith.andi %eq3A_296, %eq3A_297 : vector<16xi1>
      %eq3A_299 = arith.cmpf oeq, %get3A_171, %max3A_250 : vector<16xf32>
      %eq3A_300 = arith.cmpf oeq, %get3A_207, %min3A_295 : vector<16xf32>
      %and3A_301 = arith.andi %eq3A_299, %eq3A_300 : vector<16xi1>
      %eq3A_302 = arith.cmpf oeq, %get3A_175, %max3A_250 : vector<16xf32>
      %eq3A_303 = arith.cmpf oeq, %get3A_213, %min3A_295 : vector<16xf32>
      %and3A_304 = arith.andi %eq3A_302, %eq3A_303 : vector<16xi1>
      %eq3A_305 = arith.cmpf oeq, %get3A_179, %max3A_250 : vector<16xf32>
      %eq3A_306 = arith.cmpf oeq, %get3A_219, %min3A_295 : vector<16xf32>
      %and3A_307 = arith.andi %eq3A_305, %eq3A_306 : vector<16xi1>
      %eq3A_308 = arith.cmpf oeq, %get3A_183, %max3A_250 : vector<16xf32>
      %eq3A_309 = arith.cmpf oeq, %get3A_225, %min3A_295 : vector<16xf32>
      %and3A_310 = arith.andi %eq3A_308, %eq3A_309 : vector<16xi1>
      %eq3A_311 = arith.cmpf oeq, %get3A_187, %max3A_250 : vector<16xf32>
      %eq3A_312 = arith.cmpf oeq, %get3A_231, %min3A_295 : vector<16xf32>
      %and3A_313 = arith.andi %eq3A_311, %eq3A_312 : vector<16xi1>
      %eq3A_314 = arith.cmpf oeq, %get3A_191, %max3A_250 : vector<16xf32>
      %eq3A_315 = arith.cmpf oeq, %get3A_237, %min3A_295 : vector<16xf32>
      %and3A_316 = arith.andi %eq3A_314, %eq3A_315 : vector<16xi1>
      %eq3A_317 = arith.cmpf oeq, %get3A_195, %max3A_250 : vector<16xf32>
      %eq3A_318 = arith.cmpf oeq, %get3A_243, %min3A_295 : vector<16xf32>
      %and3A_319 = arith.andi %eq3A_317, %eq3A_318 : vector<16xi1>
      %broadcast_in_dim3A_320 = arith.constant 0.000000e+00 : f32
      %broadcast_in_dim3A_321 = vector.broadcast %broadcast_in_dim3A_320 : f32 to vector<16xf32>
      %add3A_322 = arith.constant 0 : i32
      %add3A_323 = arith.addi %mul3A_163, %add3A_322 : i32
      %add3A_324 = arith.constant 32 : i32
      %add3A_325 = arith.addi %add3A_323, %add3A_324 : i32
      %get3A_326 = arith.index_cast %add3A_325 : i32 to index
      %get3A_327 = tpu.vector_load %arg25[%get3A_326] {strides = array<i32>} : memref<1792xf32, #tpu.memory_space<vmem>>, vector<16xf32>,
      %jit3A_328 = arith.constant 0.000000e+00 : f32
      %broadcast_in_dim3A_329 = vector.broadcast %jit3A_328 : f32 to vector<16xf32>
      %select_n3A_330 = arith.select %and3A_298, %get3A_327, %broadcast_in_dim3A_329 : vector<16xi1>, vector<16xf32>
      %add3A_331 = arith.addf %broadcast_in_dim3A_321, %select_n3A_330 : vector<16xf32>
      %add3A_332 = arith.constant 112 : i32
      %add3A_333 = arith.addi %mul3A_163, %add3A_332 : i32
      %add3A_334 = arith.constant 32 : i32
      %add3A_335 = arith.addi %add3A_333, %add3A_334 : i32
      %get3A_336 = arith.index_cast %add3A_335 : i32 to index
      %get3A_337 = tpu.vector_load %arg25[%get3A_336] {strides = array<i32>} : memref<1792xf32, #tpu.memory_space<vmem>>, vector<16xf32>,
      %jit3A_338 = arith.constant 0.000000e+00 : f32
      %broadcast_in_dim3A_339 = vector.broadcast %jit3A_338 : f32 to vector<16xf32>
      %select_n3A_340 = arith.select %and3A_301, %get3A_337, %broadcast_in_dim3A_339 : vector<16xi1>, vector<16xf32>
      %add3A_341 = arith.addf %add3A_331, %select_n3A_340 : vector<16xf32>
      %add3A_342 = arith.constant 224 : i32
      %add3A_343 = arith.addi %mul3A_163, %add3A_342 : i32
      %add3A_344 = arith.constant 32 : i32
      %add3A_345 = arith.addi %add3A_343, %add3A_344 : i32
      %get3A_346 = arith.index_cast %add3A_345 : i32 to index
      %get3A_347 = tpu.vector_load %arg25[%get3A_346] {strides = array<i32>} : memref<1792xf32, #tpu.memory_space<vmem>>, vector<16xf32>,
      %jit3A_348 = arith.constant 0.000000e+00 : f32
      %broadcast_in_dim3A_349 = vector.broadcast %jit3A_348 : f32 to vector<16xf32>
      %select_n3A_350 = arith.select %and3A_304, %get3A_347, %broadcast_in_dim3A_349 : vector<16xi1>, vector<16xf32>
      %add3A_351 = arith.addf %add3A_341, %select_n3A_350 : vector<16xf32>
      %add3A_352 = arith.constant 336 : i32
      %add3A_353 = arith.addi %mul3A_163, %add3A_352 : i32
      %add3A_354 = arith.constant 32 : i32
      %add3A_355 = arith.addi %add3A_353, %add3A_354 : i32
      %get3A_356 = arith.index_cast %add3A_355 : i32 to index
      %get3A_357 = tpu.vector_load %arg25[%get3A_356] {strides = array<i32>} : memref<1792xf32, #tpu.memory_space<vmem>>, vector<16xf32>,
      %jit3A_358 = arith.constant 0.000000e+00 : f32
      %broadcast_in_dim3A_359 = vector.broadcast %jit3A_358 : f32 to vector<16xf32>
      %select_n3A_360 = arith.select %and3A_307, %get3A_357, %broadcast_in_dim3A_359 : vector<16xi1>, vector<16xf32>
      %add3A_361 = arith.addf %add3A_351, %select_n3A_360 : vector<16xf32>
      %add3A_362 = arith.constant 448 : i32
      %add3A_363 = arith.addi %mul3A_163, %add3A_362 : i32
      %add3A_364 = arith.constant 32 : i32
      %add3A_365 = arith.addi %add3A_363, %add3A_364 : i32
      %get3A_366 = arith.index_cast %add3A_365 : i32 to index
      %get3A_367 = tpu.vector_load %arg25[%get3A_366] {strides = array<i32>} : memref<1792xf32, #tpu.memory_space<vmem>>, vector<16xf32>,
      %jit3A_368 = arith.constant 0.000000e+00 : f32
      %broadcast_in_dim3A_369 = vector.broadcast %jit3A_368 : f32 to vector<16xf32>
      %select_n3A_370 = arith.select %and3A_310, %get3A_367, %broadcast_in_dim3A_369 : vector<16xi1>, vector<16xf32>
      %add3A_371 = arith.addf %add3A_361, %select_n3A_370 : vector<16xf32>
      %add3A_372 = arith.constant 560 : i32
      %add3A_373 = arith.addi %mul3A_163, %add3A_372 : i32
      %add3A_374 = arith.constant 32 : i32
      %add3A_375 = arith.addi %add3A_373, %add3A_374 : i32
      %get3A_376 = arith.index_cast %add3A_375 : i32 to index
      %get3A_377 = tpu.vector_load %arg25[%get3A_376] {strides = array<i32>} : memref<1792xf32, #tpu.memory_space<vmem>>, vector<16xf32>,
      %jit3A_378 = arith.constant 0.000000e+00 : f32
      %broadcast_in_dim3A_379 = vector.broadcast %jit3A_378 : f32 to vector<16xf32>
      %select_n3A_380 = arith.select %and3A_313, %get3A_377, %broadcast_in_dim3A_379 : vector<16xi1>, vector<16xf32>
      %add3A_381 = arith.addf %add3A_371, %select_n3A_380 : vector<16xf32>
      %add3A_382 = arith.constant 672 : i32
      %add3A_383 = arith.addi %mul3A_163, %add3A_382 : i32
      %add3A_384 = arith.constant 32 : i32
      %add3A_385 = arith.addi %add3A_383, %add3A_384 : i32
      %get3A_386 = arith.index_cast %add3A_385 : i32 to index
      %get3A_387 = tpu.vector_load %arg25[%get3A_386] {strides = array<i32>} : memref<1792xf32, #tpu.memory_space<vmem>>, vector<16xf32>,
      %jit3A_388 = arith.constant 0.000000e+00 : f32
      %broadcast_in_dim3A_389 = vector.broadcast %jit3A_388 : f32 to vector<16xf32>
      %select_n3A_390 = arith.select %and3A_316, %get3A_387, %broadcast_in_dim3A_389 : vector<16xi1>, vector<16xf32>
      %add3A_391 = arith.addf %add3A_381, %select_n3A_390 : vector<16xf32>
      %add3A_392 = arith.constant 784 : i32
      %add3A_393 = arith.addi %mul3A_163, %add3A_392 : i32
      %add3A_394 = arith.constant 32 : i32
      %add3A_395 = arith.addi %add3A_393, %add3A_394 : i32
      %get3A_396 = arith.index_cast %add3A_395 : i32 to index
      %get3A_397 = tpu.vector_load %arg25[%get3A_396] {strides = array<i32>} : memref<1792xf32, #tpu.memory_space<vmem>>, vector<16xf32>,
      %jit3A_398 = arith.constant 0.000000e+00 : f32
      %broadcast_in_dim3A_399 = vector.broadcast %jit3A_398 : f32 to vector<16xf32>
      %select_n3A_400 = arith.select %and3A_319, %get3A_397, %broadcast_in_dim3A_399 : vector<16xi1>, vector<16xf32>
      %add3A_401 = arith.addf %add3A_391, %select_n3A_400 : vector<16xf32>
      %broadcast_in_dim3A_402 = arith.constant 0.000000e+00 : f32
      %broadcast_in_dim3A_403 = vector.broadcast %broadcast_in_dim3A_402 : f32 to vector<16xf32>
      %add3A_404 = arith.constant 0 : i32
      %add3A_405 = arith.addi %mul3A_163, %add3A_404 : i32
      %add3A_406 = arith.constant 48 : i32
      %add3A_407 = arith.addi %add3A_405, %add3A_406 : i32
      %get3A_408 = arith.index_cast %add3A_407 : i32 to index
      %get3A_409 = tpu.vector_load %arg25[%get3A_408] {strides = array<i32>} : memref<1792xf32, #tpu.memory_space<vmem>>, vector<16xf32>,
      %jit3A_410 = arith.constant 0.000000e+00 : f32
      %broadcast_in_dim3A_411 = vector.broadcast %jit3A_410 : f32 to vector<16xf32>
      %select_n3A_412 = arith.select %and3A_298, %get3A_409, %broadcast_in_dim3A_411 : vector<16xi1>, vector<16xf32>
      %add3A_413 = arith.addf %broadcast_in_dim3A_403, %select_n3A_412 : vector<16xf32>
      %add3A_414 = arith.constant 112 : i32
      %add3A_415 = arith.addi %mul3A_163, %add3A_414 : i32
      %add3A_416 = arith.constant 48 : i32
      %add3A_417 = arith.addi %add3A_415, %add3A_416 : i32
      %get3A_418 = arith.index_cast %add3A_417 : i32 to index
      %get3A_419 = tpu.vector_load %arg25[%get3A_418] {strides = array<i32>} : memref<1792xf32, #tpu.memory_space<vmem>>, vector<16xf32>,
      %jit3A_420 = arith.constant 0.000000e+00 : f32
      %broadcast_in_dim3A_421 = vector.broadcast %jit3A_420 : f32 to vector<16xf32>
      %select_n3A_422 = arith.select %and3A_301, %get3A_419, %broadcast_in_dim3A_421 : vector<16xi1>, vector<16xf32>
      %add3A_423 = arith.addf %add3A_413, %select_n3A_422 : vector<16xf32>
      %add3A_424 = arith.constant 224 : i32
      %add3A_425 = arith.addi %mul3A_163, %add3A_424 : i32
      %add3A_426 = arith.constant 48 : i32
      %add3A_427 = arith.addi %add3A_425, %add3A_426 : i32
      %get3A_428 = arith.index_cast %add3A_427 : i32 to index
      %get3A_429 = tpu.vector_load %arg25[%get3A_428] {strides = array<i32>} : memref<1792xf32, #tpu.memory_space<vmem>>, vector<16xf32>,
      %jit3A_430 = arith.constant 0.000000e+00 : f32
      %broadcast_in_dim3A_431 = vector.broadcast %jit3A_430 : f32 to vector<16xf32>
      %select_n3A_432 = arith.select %and3A_304, %get3A_429, %broadcast_in_dim3A_431 : vector<16xi1>, vector<16xf32>
      %add3A_433 = arith.addf %add3A_423, %select_n3A_432 : vector<16xf32>
      %add3A_434 = arith.constant 336 : i32
      %add3A_435 = arith.addi %mul3A_163, %add3A_434 : i32
      %add3A_436 = arith.constant 48 : i32
      %add3A_437 = arith.addi %add3A_435, %add3A_436 : i32
      %get3A_438 = arith.index_cast %add3A_437 : i32 to index
      %get3A_439 = tpu.vector_load %arg25[%get3A_438] {strides = array<i32>} : memref<1792xf32, #tpu.memory_space<vmem>>, vector<16xf32>,
      %jit3A_440 = arith.constant 0.000000e+00 : f32
      %broadcast_in_dim3A_441 = vector.broadcast %jit3A_440 : f32 to vector<16xf32>
      %select_n3A_442 = arith.select %and3A_307, %get3A_439, %broadcast_in_dim3A_441 : vector<16xi1>, vector<16xf32>
      %add3A_443 = arith.addf %add3A_433, %select_n3A_442 : vector<16xf32>
      %add3A_444 = arith.constant 448 : i32
      %add3A_445 = arith.addi %mul3A_163, %add3A_444 : i32
      %add3A_446 = arith.constant 48 : i32
      %add3A_447 = arith.addi %add3A_445, %add3A_446 : i32
      %get3A_448 = arith.index_cast %add3A_447 : i32 to index
      %get3A_449 = tpu.vector_load %arg25[%get3A_448] {strides = array<i32>} : memref<1792xf32, #tpu.memory_space<vmem>>, vector<16xf32>,
      %jit3A_450 = arith.constant 0.000000e+00 : f32
      %broadcast_in_dim3A_451 = vector.broadcast %jit3A_450 : f32 to vector<16xf32>
      %select_n3A_452 = arith.select %and3A_310, %get3A_449, %broadcast_in_dim3A_451 : vector<16xi1>, vector<16xf32>
      %add3A_453 = arith.addf %add3A_443, %select_n3A_452 : vector<16xf32>
      %add3A_454 = arith.constant 560 : i32
      %add3A_455 = arith.addi %mul3A_163, %add3A_454 : i32
      %add3A_456 = arith.constant 48 : i32
      %add3A_457 = arith.addi %add3A_455, %add3A_456 : i32
      %get3A_458 = arith.index_cast %add3A_457 : i32 to index
      %get3A_459 = tpu.vector_load %arg25[%get3A_458] {strides = array<i32>} : memref<1792xf32, #tpu.memory_space<vmem>>, vector<16xf32>,
      %jit3A_460 = arith.constant 0.000000e+00 : f32
      %broadcast_in_dim3A_461 = vector.broadcast %jit3A_460 : f32 to vector<16xf32>
      %select_n3A_462 = arith.select %and3A_313, %get3A_459, %broadcast_in_dim3A_461 : vector<16xi1>, vector<16xf32>
      %add3A_463 = arith.addf %add3A_453, %select_n3A_462 : vector<16xf32>
      %add3A_464 = arith.constant 672 : i32
      %add3A_465 = arith.addi %mul3A_163, %add3A_464 : i32
      %add3A_466 = arith.constant 48 : i32
      %add3A_467 = arith.addi %add3A_465, %add3A_466 : i32
      %get3A_468 = arith.index_cast %add3A_467 : i32 to index
      %get3A_469 = tpu.vector_load %arg25[%get3A_468] {strides = array<i32>} : memref<1792xf32, #tpu.memory_space<vmem>>, vector<16xf32>,
      %jit3A_470 = arith.constant 0.000000e+00 : f32
      %broadcast_in_dim3A_471 = vector.broadcast %jit3A_470 : f32 to vector<16xf32>
      %select_n3A_472 = arith.select %and3A_316, %get3A_469, %broadcast_in_dim3A_471 : vector<16xi1>, vector<16xf32>
      %add3A_473 = arith.addf %add3A_463, %select_n3A_472 : vector<16xf32>
      %add3A_474 = arith.constant 784 : i32
      %add3A_475 = arith.addi %mul3A_163, %add3A_474 : i32
      %add3A_476 = arith.constant 48 : i32
      %add3A_477 = arith.addi %add3A_475, %add3A_476 : i32
      %get3A_478 = arith.index_cast %add3A_477 : i32 to index
      %get3A_479 = tpu.vector_load %arg25[%get3A_478] {strides = array<i32>} : memref<1792xf32, #tpu.memory_space<vmem>>, vector<16xf32>,
      %jit3A_480 = arith.constant 0.000000e+00 : f32
      %broadcast_in_dim3A_481 = vector.broadcast %jit3A_480 : f32 to vector<16xf32>
      %select_n3A_482 = arith.select %and3A_319, %get3A_479, %broadcast_in_dim3A_481 : vector<16xi1>, vector<16xf32>
      %add3A_483 = arith.addf %add3A_473, %select_n3A_482 : vector<16xf32>
      %broadcast_in_dim3A_484 = arith.constant 0.000000e+00 : f32
      %broadcast_in_dim3A_485 = vector.broadcast %broadcast_in_dim3A_484 : f32 to vector<16xf32>
      %add3A_486 = arith.constant 0 : i32
      %add3A_487 = arith.addi %mul3A_163, %add3A_486 : i32
      %add3A_488 = arith.constant 64 : i32
      %add3A_489 = arith.addi %add3A_487, %add3A_488 : i32
      %get3A_490 = arith.index_cast %add3A_489 : i32 to index
      %get3A_491 = tpu.vector_load %arg25[%get3A_490] {strides = array<i32>} : memref<1792xf32, #tpu.memory_space<vmem>>, vector<16xf32>,
      %jit3A_492 = arith.constant 0.000000e+00 : f32
      %broadcast_in_dim3A_493 = vector.broadcast %jit3A_492 : f32 to vector<16xf32>
      %select_n3A_494 = arith.select %and3A_298, %get3A_491, %broadcast_in_dim3A_493 : vector<16xi1>, vector<16xf32>
      %add3A_495 = arith.addf %broadcast_in_dim3A_485, %select_n3A_494 : vector<16xf32>
      %add3A_496 = arith.constant 112 : i32
      %add3A_497 = arith.addi %mul3A_163, %add3A_496 : i32
      %add3A_498 = arith.constant 64 : i32
      %add3A_499 = arith.addi %add3A_497, %add3A_498 : i32
      %get3A_500 = arith.index_cast %add3A_499 : i32 to index
      %get3A_501 = tpu.vector_load %arg25[%get3A_500] {strides = array<i32>} : memref<1792xf32, #tpu.memory_space<vmem>>, vector<16xf32>,
      %jit3A_502 = arith.constant 0.000000e+00 : f32
      %broadcast_in_dim3A_503 = vector.broadcast %jit3A_502 : f32 to vector<16xf32>
      %select_n3A_504 = arith.select %and3A_301, %get3A_501, %broadcast_in_dim3A_503 : vector<16xi1>, vector<16xf32>
      %add3A_505 = arith.addf %add3A_495, %select_n3A_504 : vector<16xf32>
      %add3A_506 = arith.constant 224 : i32
      %add3A_507 = arith.addi %mul3A_163, %add3A_506 : i32
      %add3A_508 = arith.constant 64 : i32
      %add3A_509 = arith.addi %add3A_507, %add3A_508 : i32
      %get3A_510 = arith.index_cast %add3A_509 : i32 to index
      %get3A_511 = tpu.vector_load %arg25[%get3A_510] {strides = array<i32>} : memref<1792xf32, #tpu.memory_space<vmem>>, vector<16xf32>,
      %jit3A_512 = arith.constant 0.000000e+00 : f32
      %broadcast_in_dim3A_513 = vector.broadcast %jit3A_512 : f32 to vector<16xf32>
      %select_n3A_514 = arith.select %and3A_304, %get3A_511, %broadcast_in_dim3A_513 : vector<16xi1>, vector<16xf32>
      %add3A_515 = arith.addf %add3A_505, %select_n3A_514 : vector<16xf32>
      %add3A_516 = arith.constant 336 : i32
      %add3A_517 = arith.addi %mul3A_163, %add3A_516 : i32
      %add3A_518 = arith.constant 64 : i32
      %add3A_519 = arith.addi %add3A_517, %add3A_518 : i32
      %get3A_520 = arith.index_cast %add3A_519 : i32 to index
      %get3A_521 = tpu.vector_load %arg25[%get3A_520] {strides = array<i32>} : memref<1792xf32, #tpu.memory_space<vmem>>, vector<16xf32>,
      %jit3A_522 = arith.constant 0.000000e+00 : f32
      %broadcast_in_dim3A_523 = vector.broadcast %jit3A_522 : f32 to vector<16xf32>
      %select_n3A_524 = arith.select %and3A_307, %get3A_521, %broadcast_in_dim3A_523 : vector<16xi1>, vector<16xf32>
      %add3A_525 = arith.addf %add3A_515, %select_n3A_524 : vector<16xf32>
      %add3A_526 = arith.constant 448 : i32
      %add3A_527 = arith.addi %mul3A_163, %add3A_526 : i32
      %add3A_528 = arith.constant 64 : i32
      %add3A_529 = arith.addi %add3A_527, %add3A_528 : i32
      %get3A_530 = arith.index_cast %add3A_529 : i32 to index
      %get3A_531 = tpu.vector_load %arg25[%get3A_530] {strides = array<i32>} : memref<1792xf32, #tpu.memory_space<vmem>>, vector<16xf32>,
      %jit3A_532 = arith.constant 0.000000e+00 : f32
      %broadcast_in_dim3A_533 = vector.broadcast %jit3A_532 : f32 to vector<16xf32>
      %select_n3A_534 = arith.select %and3A_310, %get3A_531, %broadcast_in_dim3A_533 : vector<16xi1>, vector<16xf32>
      %add3A_535 = arith.addf %add3A_525, %select_n3A_534 : vector<16xf32>
      %add3A_536 = arith.constant 560 : i32
      %add3A_537 = arith.addi %mul3A_163, %add3A_536 : i32
      %add3A_538 = arith.constant 64 : i32
      %add3A_539 = arith.addi %add3A_537, %add3A_538 : i32
      %get3A_540 = arith.index_cast %add3A_539 : i32 to index
      %get3A_541 = tpu.vector_load %arg25[%get3A_540] {strides = array<i32>} : memref<1792xf32, #tpu.memory_space<vmem>>, vector<16xf32>,
      %jit3A_542 = arith.constant 0.000000e+00 : f32
      %broadcast_in_dim3A_543 = vector.broadcast %jit3A_542 : f32 to vector<16xf32>
      %select_n3A_544 = arith.select %and3A_313, %get3A_541, %broadcast_in_dim3A_543 : vector<16xi1>, vector<16xf32>
      %add3A_545 = arith.addf %add3A_535, %select_n3A_544 : vector<16xf32>
      %add3A_546 = arith.constant 672 : i32
      %add3A_547 = arith.addi %mul3A_163, %add3A_546 : i32
      %add3A_548 = arith.constant 64 : i32
      %add3A_549 = arith.addi %add3A_547, %add3A_548 : i32
      %get3A_550 = arith.index_cast %add3A_549 : i32 to index
      %get3A_551 = tpu.vector_load %arg25[%get3A_550] {strides = array<i32>} : memref<1792xf32, #tpu.memory_space<vmem>>, vector<16xf32>,
      %jit3A_552 = arith.constant 0.000000e+00 : f32
      %broadcast_in_dim3A_553 = vector.broadcast %jit3A_552 : f32 to vector<16xf32>
      %select_n3A_554 = arith.select %and3A_316, %get3A_551, %broadcast_in_dim3A_553 : vector<16xi1>, vector<16xf32>
      %add3A_555 = arith.addf %add3A_545, %select_n3A_554 : vector<16xf32>
      %add3A_556 = arith.constant 784 : i32
      %add3A_557 = arith.addi %mul3A_163, %add3A_556 : i32
      %add3A_558 = arith.constant 64 : i32
      %add3A_559 = arith.addi %add3A_557, %add3A_558 : i32
      %get3A_560 = arith.index_cast %add3A_559 : i32 to index
      %get3A_561 = tpu.vector_load %arg25[%get3A_560] {strides = array<i32>} : memref<1792xf32, #tpu.memory_space<vmem>>, vector<16xf32>,
      %jit3A_562 = arith.constant 0.000000e+00 : f32
      %broadcast_in_dim3A_563 = vector.broadcast %jit3A_562 : f32 to vector<16xf32>
      %select_n3A_564 = arith.select %and3A_319, %get3A_561, %broadcast_in_dim3A_563 : vector<16xi1>, vector<16xf32>
      %add3A_565 = arith.addf %add3A_555, %select_n3A_564 : vector<16xf32>
      %broadcast_in_dim3A_566 = arith.constant 0.000000e+00 : f32
      %broadcast_in_dim3A_567 = vector.broadcast %broadcast_in_dim3A_566 : f32 to vector<16xf32>
      %add3A_568 = arith.constant 0 : i32
      %add3A_569 = arith.addi %mul3A_163, %add3A_568 : i32
      %add3A_570 = arith.constant 80 : i32
      %add3A_571 = arith.addi %add3A_569, %add3A_570 : i32
      %get3A_572 = arith.index_cast %add3A_571 : i32 to index
      %get3A_573 = tpu.vector_load %arg25[%get3A_572] {strides = array<i32>} : memref<1792xf32, #tpu.memory_space<vmem>>, vector<16xf32>,
      %jit3A_574 = arith.constant 0.000000e+00 : f32
      %broadcast_in_dim3A_575 = vector.broadcast %jit3A_574 : f32 to vector<16xf32>
      %select_n3A_576 = arith.select %and3A_298, %get3A_573, %broadcast_in_dim3A_575 : vector<16xi1>, vector<16xf32>
      %add3A_577 = arith.addf %broadcast_in_dim3A_567, %select_n3A_576 : vector<16xf32>
      %add3A_578 = arith.constant 112 : i32
      %add3A_579 = arith.addi %mul3A_163, %add3A_578 : i32
      %add3A_580 = arith.constant 80 : i32
      %add3A_581 = arith.addi %add3A_579, %add3A_580 : i32
      %get3A_582 = arith.index_cast %add3A_581 : i32 to index
      %get3A_583 = tpu.vector_load %arg25[%get3A_582] {strides = array<i32>} : memref<1792xf32, #tpu.memory_space<vmem>>, vector<16xf32>,
      %jit3A_584 = arith.constant 0.000000e+00 : f32
      %broadcast_in_dim3A_585 = vector.broadcast %jit3A_584 : f32 to vector<16xf32>
      %select_n3A_586 = arith.select %and3A_301, %get3A_583, %broadcast_in_dim3A_585 : vector<16xi1>, vector<16xf32>
      %add3A_587 = arith.addf %add3A_577, %select_n3A_586 : vector<16xf32>
      %add3A_588 = arith.constant 224 : i32
      %add3A_589 = arith.addi %mul3A_163, %add3A_588 : i32
      %add3A_590 = arith.constant 80 : i32
      %add3A_591 = arith.addi %add3A_589, %add3A_590 : i32
      %get3A_592 = arith.index_cast %add3A_591 : i32 to index
      %get3A_593 = tpu.vector_load %arg25[%get3A_592] {strides = array<i32>} : memref<1792xf32, #tpu.memory_space<vmem>>, vector<16xf32>,
      %jit3A_594 = arith.constant 0.000000e+00 : f32
      %broadcast_in_dim3A_595 = vector.broadcast %jit3A_594 : f32 to vector<16xf32>
      %select_n3A_596 = arith.select %and3A_304, %get3A_593, %broadcast_in_dim3A_595 : vector<16xi1>, vector<16xf32>
      %add3A_597 = arith.addf %add3A_587, %select_n3A_596 : vector<16xf32>
      %add3A_598 = arith.constant 336 : i32
      %add3A_599 = arith.addi %mul3A_163, %add3A_598 : i32
      %add3A_600 = arith.constant 80 : i32
      %add3A_601 = arith.addi %add3A_599, %add3A_600 : i32
      %get3A_602 = arith.index_cast %add3A_601 : i32 to index
      %get3A_603 = tpu.vector_load %arg25[%get3A_602] {strides = array<i32>} : memref<1792xf32, #tpu.memory_space<vmem>>, vector<16xf32>,
      %jit3A_604 = arith.constant 0.000000e+00 : f32
      %broadcast_in_dim3A_605 = vector.broadcast %jit3A_604 : f32 to vector<16xf32>
      %select_n3A_606 = arith.select %and3A_307, %get3A_603, %broadcast_in_dim3A_605 : vector<16xi1>, vector<16xf32>
      %add3A_607 = arith.addf %add3A_597, %select_n3A_606 : vector<16xf32>
      %add3A_608 = arith.constant 448 : i32
      %add3A_609 = arith.addi %mul3A_163, %add3A_608 : i32
      %add3A_610 = arith.constant 80 : i32
      %add3A_611 = arith.addi %add3A_609, %add3A_610 : i32
      %get3A_612 = arith.index_cast %add3A_611 : i32 to index
      %get3A_613 = tpu.vector_load %arg25[%get3A_612] {strides = array<i32>} : memref<1792xf32, #tpu.memory_space<vmem>>, vector<16xf32>,
      %jit3A_614 = arith.constant 0.000000e+00 : f32
      %broadcast_in_dim3A_615 = vector.broadcast %jit3A_614 : f32 to vector<16xf32>
      %select_n3A_616 = arith.select %and3A_310, %get3A_613, %broadcast_in_dim3A_615 : vector<16xi1>, vector<16xf32>
      %add3A_617 = arith.addf %add3A_607, %select_n3A_616 : vector<16xf32>
      %add3A_618 = arith.constant 560 : i32
      %add3A_619 = arith.addi %mul3A_163, %add3A_618 : i32
      %add3A_620 = arith.constant 80 : i32
      %add3A_621 = arith.addi %add3A_619, %add3A_620 : i32
      %get3A_622 = arith.index_cast %add3A_621 : i32 to index
      %get3A_623 = tpu.vector_load %arg25[%get3A_622] {strides = array<i32>} : memref<1792xf32, #tpu.memory_space<vmem>>, vector<16xf32>,
      %jit3A_624 = arith.constant 0.000000e+00 : f32
      %broadcast_in_dim3A_625 = vector.broadcast %jit3A_624 : f32 to vector<16xf32>
      %select_n3A_626 = arith.select %and3A_313, %get3A_623, %broadcast_in_dim3A_625 : vector<16xi1>, vector<16xf32>
      %add3A_627 = arith.addf %add3A_617, %select_n3A_626 : vector<16xf32>
      %add3A_628 = arith.constant 672 : i32
      %add3A_629 = arith.addi %mul3A_163, %add3A_628 : i32
      %add3A_630 = arith.constant 80 : i32
      %add3A_631 = arith.addi %add3A_629, %add3A_630 : i32
      %get3A_632 = arith.index_cast %add3A_631 : i32 to index
      %get3A_633 = tpu.vector_load %arg25[%get3A_632] {strides = array<i32>} : memref<1792xf32, #tpu.memory_space<vmem>>, vector<16xf32>,
      %jit3A_634 = arith.constant 0.000000e+00 : f32
      %broadcast_in_dim3A_635 = vector.broadcast %jit3A_634 : f32 to vector<16xf32>
      %select_n3A_636 = arith.select %and3A_316, %get3A_633, %broadcast_in_dim3A_635 : vector<16xi1>, vector<16xf32>
      %add3A_637 = arith.addf %add3A_627, %select_n3A_636 : vector<16xf32>
      %add3A_638 = arith.constant 784 : i32
      %add3A_639 = arith.addi %mul3A_163, %add3A_638 : i32
      %add3A_640 = arith.constant 80 : i32
      %add3A_641 = arith.addi %add3A_639, %add3A_640 : i32
      %get3A_642 = arith.index_cast %add3A_641 : i32 to index
      %get3A_643 = tpu.vector_load %arg25[%get3A_642] {strides = array<i32>} : memref<1792xf32, #tpu.memory_space<vmem>>, vector<16xf32>,
      %jit3A_644 = arith.constant 0.000000e+00 : f32
      %broadcast_in_dim3A_645 = vector.broadcast %jit3A_644 : f32 to vector<16xf32>
      %select_n3A_646 = arith.select %and3A_319, %get3A_643, %broadcast_in_dim3A_645 : vector<16xi1>, vector<16xf32>
      %add3A_647 = arith.addf %add3A_637, %select_n3A_646 : vector<16xf32>
      %sub3A_648 = arith.subf %add3A_565, %add3A_401 : vector<16xf32>
      %sub3A_649 = arith.subf %add3A_647, %add3A_483 : vector<16xf32>
      %mul3A_650 = arith.mulf %sub3A_648, %sub3A_649 : vector<16xf32>
      %reduce_max3A_651 = arith.constant true
      %reduce_max3A_652 = vector.broadcast %reduce_max3A_651 : i1 to vector<16xi1>
      %reduce_max3A_653 = tpu.scan <max>, %max3A_250 masked %reduce_max3A_652 : vector<16xf32>, vector<16xi1> -> vector<16xf32>
      %reduce_max3A_654 = vector.extract %reduce_max3A_653[15] : f32 from vector<16xf32>
      %gt3A = arith.constant -5.000000e-01 : f32
      %gt3A_655 = arith.cmpf ogt, %reduce_max3A_654, %gt3A : f32
      %broadcast_in_dim3A_656 = arith.constant -2.000000e+00 : f32
      %broadcast_in_dim3A_657 = vector.broadcast %broadcast_in_dim3A_656 : f32 to vector<16xf32>
      %broadcast_in_dim3A_658 = arith.constant 0 : i32
      %broadcast_in_dim3A_659 = vector.broadcast %broadcast_in_dim3A_658 : i32 to vector<16xi32>
      %parallel_loop3A_660 = arith.constant 0 : i32
      %parallel_loop3A_661 = arith.constant 640 : i32
      %parallel_loop3A_662 = arith.constant 16 : i32
      %parallel_loop3A_663:2 = scf.for %parallel_loop3A_693 = %parallel_loop3A_660 to %parallel_loop3A_661 step %parallel_loop3A_662 iter_args(%parallel_loop3A_694 = %broadcast_in_dim3A_657, %parallel_loop3A_695 = %broadcast_in_dim3A_659) -> (vector<16xf32>, vector<16xi32>)  : i32 {
        %parallel_loop3A_696 = arith.index_cast %parallel_loop3A_693 : i32 to index
        %parallel_loop3A_697 = tpu.vector_load %arg13[%parallel_loop3A_696] {strides = array<i32>} : memref<640xf32, #tpu.memory_space<vmem>>, vector<16xf32>,
        %parallel_loop3A_698 = arith.index_cast %parallel_loop3A_693 : i32 to index
        %parallel_loop3A_699 = tpu.vector_load %arg14[%parallel_loop3A_698] {strides = array<i32>} : memref<640xf32, #tpu.memory_space<vmem>>, vector<16xf32>,
        %parallel_loop3A_700 = arith.index_cast %parallel_loop3A_693 : i32 to index
        %parallel_loop3A_701 = tpu.vector_load %arg15[%parallel_loop3A_700] {strides = array<i32>} : memref<640xf32, #tpu.memory_space<vmem>>, vector<16xf32>,
        %parallel_loop3A_702 = arith.index_cast %parallel_loop3A_693 : i32 to index
        %parallel_loop3A_703 = tpu.vector_load %arg16[%parallel_loop3A_702] {strides = array<i32>} : memref<640xf32, #tpu.memory_space<vmem>>, vector<16xf32>,
        %parallel_loop3A_704 = arith.index_cast %parallel_loop3A_693 : i32 to index
        %parallel_loop3A_705 = tpu.vector_load %arg26[%parallel_loop3A_704] {strides = array<i32>} : memref<640xf32, #tpu.memory_space<vmem>>, vector<16xf32>,
        %parallel_loop3A_706 = arith.index_cast %parallel_loop3A_693 : i32 to index
        %parallel_loop3A_707 = tpu.vector_load %arg17[%parallel_loop3A_706] {strides = array<i32>} : memref<640xf32, #tpu.memory_space<vmem>>, vector<16xf32>,
        %parallel_loop3A_708 = arith.maximumf %add3A_401, %parallel_loop3A_697 : vector<16xf32>
        %parallel_loop3A_709 = arith.maximumf %add3A_483, %parallel_loop3A_699 : vector<16xf32>
        %parallel_loop3A_710 = arith.minimumf %add3A_565, %parallel_loop3A_701 : vector<16xf32>
        %parallel_loop3A_711 = arith.minimumf %add3A_647, %parallel_loop3A_703 : vector<16xf32>
        %parallel_loop3A_712 = arith.subf %parallel_loop3A_710, %parallel_loop3A_708 : vector<16xf32>
        %parallel_loop3A_713 = arith.constant 0.000000e+00 : f32
        %parallel_loop3A_714 = vector.broadcast %parallel_loop3A_713 : f32 to vector<16xf32>
        %parallel_loop3A_715 = arith.maximumf %parallel_loop3A_714, %parallel_loop3A_712 : vector<16xf32>
        %parallel_loop3A_716 = arith.subf %parallel_loop3A_711, %parallel_loop3A_709 : vector<16xf32>
        %parallel_loop3A_717 = arith.constant 0.000000e+00 : f32
        %parallel_loop3A_718 = vector.broadcast %parallel_loop3A_717 : f32 to vector<16xf32>
        %parallel_loop3A_719 = arith.maximumf %parallel_loop3A_718, %parallel_loop3A_716 : vector<16xf32>
        %parallel_loop3A_720 = arith.mulf %parallel_loop3A_715, %parallel_loop3A_719 : vector<16xf32>
        %parallel_loop3A_721 = arith.addf %mul3A_650, %parallel_loop3A_705 : vector<16xf32>
        %parallel_loop3A_722 = arith.subf %parallel_loop3A_721, %parallel_loop3A_720 : vector<16xf32>
        %parallel_loop3A_723 = arith.constant 9.99999971E-10 : f32
        %parallel_loop3A_724 = vector.broadcast %parallel_loop3A_723 : f32 to vector<16xf32>
        %parallel_loop3A_725 = arith.addf %parallel_loop3A_722, %parallel_loop3A_724 : vector<16xf32>
        %parallel_loop3A_726 = arith.divf %parallel_loop3A_720, %parallel_loop3A_725 : vector<16xf32>
        %parallel_loop3A_727 = arith.constant 0.699999988 : f32
        %parallel_loop3A_728 = vector.broadcast %parallel_loop3A_727 : f32 to vector<16xf32>
        %parallel_loop3A_729 = arith.cmpf ogt, %parallel_loop3A_726, %parallel_loop3A_728 : vector<16xf32>
        %parallel_loop3A_730 = arith.constant -1.000000e+00 : f32
        %parallel_loop3A_731 = vector.broadcast %parallel_loop3A_730 : f32 to vector<16xf32>
        %parallel_loop3A_732 = arith.select %parallel_loop3A_729, %parallel_loop3A_731, %parallel_loop3A_707 : vector<16xi1>, vector<16xf32>
        %parallel_loop3A_733 = arith.index_cast %parallel_loop3A_693 : i32 to index
        %parallel_loop3A_734 = tpu.vector_load %arg17[%parallel_loop3A_733] {strides = array<i32>} : memref<640xf32, #tpu.memory_space<vmem>>, vector<16xf32>,
        tpu.vector_store %arg17[%parallel_loop3A_733], %parallel_loop3A_732 {strides = array<i32>} : memref<640xf32, #tpu.memory_space<vmem>>, vector<16xf32>,
        %parallel_loop3A_735 = arith.cmpf ogt, %parallel_loop3A_732, %parallel_loop3A_694 : vector<16xf32>
        %parallel_loop3A_736 = arith.maximumf %parallel_loop3A_694, %parallel_loop3A_732 : vector<16xf32>
        %parallel_loop3A_737 = vector.broadcast %parallel_loop3A_693 : i32 to vector<16xi32>
        %parallel_loop3A_738 = arith.select %parallel_loop3A_735, %parallel_loop3A_737, %parallel_loop3A_695 : vector<16xi1>, vector<16xi32>
        scf.yield %parallel_loop3A_736, %parallel_loop3A_738 : vector<16xf32>, vector<16xi32>
      } {sc.loop_unroll_factor = 20 : i64, sc.parallel_access}
      %lt3A = arith.cmpi slt, %while3A_63, %convert_element_type3A_52 : i32
      %and3A_664 = arith.andi %gt3A_655, %lt3A : i1
      %eq3A_665 = arith.constant 0 : i32
      %eq3A_666 = arith.cmpi eq, %and3A_2, %eq3A_665 : i32
      %and3A_667 = arith.andi %eq3A_666, %and3A_664 : i1
      %convert_element_type3A_668 = arith.extui %and3A_667 : i1 to i32
      %cond3A_669 = arith.constant 0 : i32
      %cond3A_670 = arith.cmpi ne, %convert_element_type3A_668, %cond3A_669 : i32
      scf.if %cond3A_670 {
        %shift_right_logical3A_693 = arith.constant 4 : i32
        %shift_right_logical3A_694 = arith.shrui %while3A_63, %shift_right_logical3A_693 : i32
        %shift_left3A_695 = arith.constant 4 : i32
        %shift_left3A_696 = arith.shli %shift_right_logical3A_694, %shift_left3A_695 : i32
        %and3A_697 = arith.constant 15 : i32
        %and3A_698 = arith.andi %while3A_63, %and3A_697 : i32
        %eq3A_699 = vector.broadcast %and3A_698 : i32 to vector<16xi32>
        %eq3A_700 = arith.cmpi eq, %iota3A, %eq3A_699 : vector<16xi32>
        %get3A_701 = arith.index_cast %shift_left3A_696 : i32 to index
        %get3A_702 = tpu.vector_load %arg19[%get3A_701] {strides = array<i32>} : memref<64xf32, #tpu.memory_space<vmem>>, vector<16xf32>,
        %select_n3A_703 = arith.select %eq3A_700, %add3A_401, %get3A_702 : vector<16xi1>, vector<16xf32>
        %swap3A_704 = arith.index_cast %shift_left3A_696 : i32 to index
        %swap3A_705 = tpu.vector_load %arg19[%swap3A_704] {strides = array<i32>} : memref<64xf32, #tpu.memory_space<vmem>>, vector<16xf32>,
        tpu.vector_store %arg19[%swap3A_704], %select_n3A_703 {strides = array<i32>} : memref<64xf32, #tpu.memory_space<vmem>>, vector<16xf32>,
        %get3A_706 = arith.index_cast %shift_left3A_696 : i32 to index
        %get3A_707 = tpu.vector_load %arg20[%get3A_706] {strides = array<i32>} : memref<64xf32, #tpu.memory_space<vmem>>, vector<16xf32>,
        %select_n3A_708 = arith.select %eq3A_700, %add3A_483, %get3A_707 : vector<16xi1>, vector<16xf32>
        %swap3A_709 = arith.index_cast %shift_left3A_696 : i32 to index
        %swap3A_710 = tpu.vector_load %arg20[%swap3A_709] {strides = array<i32>} : memref<64xf32, #tpu.memory_space<vmem>>, vector<16xf32>,
        tpu.vector_store %arg20[%swap3A_709], %select_n3A_708 {strides = array<i32>} : memref<64xf32, #tpu.memory_space<vmem>>, vector<16xf32>,
        %get3A_711 = arith.index_cast %shift_left3A_696 : i32 to index
        %get3A_712 = tpu.vector_load %arg21[%get3A_711] {strides = array<i32>} : memref<64xf32, #tpu.memory_space<vmem>>, vector<16xf32>,
        %select_n3A_713 = arith.select %eq3A_700, %add3A_565, %get3A_712 : vector<16xi1>, vector<16xf32>
        %swap3A_714 = arith.index_cast %shift_left3A_696 : i32 to index
        %swap3A_715 = tpu.vector_load %arg21[%swap3A_714] {strides = array<i32>} : memref<64xf32, #tpu.memory_space<vmem>>, vector<16xf32>,
        tpu.vector_store %arg21[%swap3A_714], %select_n3A_713 {strides = array<i32>} : memref<64xf32, #tpu.memory_space<vmem>>, vector<16xf32>,
        %get3A_716 = arith.index_cast %shift_left3A_696 : i32 to index
        %get3A_717 = tpu.vector_load %arg22[%get3A_716] {strides = array<i32>} : memref<64xf32, #tpu.memory_space<vmem>>, vector<16xf32>,
        %select_n3A_718 = arith.select %eq3A_700, %add3A_647, %get3A_717 : vector<16xi1>, vector<16xf32>
        %swap3A_719 = arith.index_cast %shift_left3A_696 : i32 to index
        %swap3A_720 = tpu.vector_load %arg22[%swap3A_719] {strides = array<i32>} : memref<64xf32, #tpu.memory_space<vmem>>, vector<16xf32>,
        tpu.vector_store %arg22[%swap3A_719], %select_n3A_718 {strides = array<i32>} : memref<64xf32, #tpu.memory_space<vmem>>, vector<16xf32>,
      } else {
      }
      %jit3A_671 = arith.constant 1 : i32
      %jit3A_672 = arith.constant 0 : i32
      %select_n3A_673 = arith.select %and3A_664, %jit3A_671, %jit3A_672 : i32
      %add3A_674 = arith.addi %while3A_63, %select_n3A_673 : i32
      %lt3A_675 = arith.cmpi slt, %add3A_674, %convert_element_type3A_52 : i32
      %and3A_676 = arith.andi %and3A_664, %lt3A_675 : i1
      %sub3A_677 = arith.constant 1 : i32
      %sub3A_678 = arith.subi %sub3A_677, %shift_right_logical3A_0 : i32
      %mul3A_679 = arith.constant 896 : i32
      %mul3A_680 = arith.muli %sub3A_678, %mul3A_679 : i32
      %add3A_681 = arith.constant 96 : i32
      %add3A_682 = arith.addi %mul3A_680, %add3A_681 : i32
      %get3A_683 = arith.index_cast %add3A_682 : i32 to index
      %get3A_684 = tpu.vector_load %arg25[%get3A_683] {strides = array<i32>} : memref<1792xf32, #tpu.memory_space<vmem>>, vector<16xf32>,
      %reduce_max3A_685 = arith.constant true
      %reduce_max3A_686 = vector.broadcast %reduce_max3A_685 : i1 to vector<16xi1>
      %reduce_max3A_687 = tpu.scan <max>, %get3A_684 masked %reduce_max3A_686 : vector<16xf32>, vector<16xi1> -> vector<16xf32>
      %reduce_max3A_688 = vector.extract %reduce_max3A_687[15] : f32 from vector<16xf32>
      %gt3A_689 = arith.constant 5.000000e-01 : f32
      %gt3A_690 = arith.cmpf ogt, %reduce_max3A_688, %gt3A_689 : f32
      %or3A = arith.ori %while3A_64, %gt3A_690 : i1
      %add3A_691 = arith.constant 1 : i32
      %add3A_692 = arith.addi %while3A_62, %add3A_691 : i32
      scf.yield %or3A, %add3A_692, %add3A_674, %and3A_676, %parallel_loop3A_663#0, %parallel_loop3A_663#1 : i1, i32, i32, i1, vector<16xf32>, vector<16xi32>
    }
    %eq3A_57 = arith.constant 0 : i32
    %eq3A_58 = arith.cmpi eq, %and3A_2, %eq3A_57 : i32
    %convert_element_type3A_59 = arith.extui %eq3A_58 : i1 to i32
    %cond3A = arith.constant 0 : i32
    %cond3A_60 = arith.cmpi ne, %convert_element_type3A_59, %cond3A : i32
    scf.if %cond3A_60 {
      "tpu.region"() ({
        %run_scoped3A = tpu.sem_alloc : memref<!tpu.dma_semaphore, #tpu.memory_space<semaphore_mem>>
        %dma_start3A = arith.constant 0 : i32
        %dma_start3A_64 = tpu.memref_slice %arg8[%add3A, %dma_start3A] : memref<4x64xf32, #tpu.memory_space<hbm>> -> memref<1x64xf32, #tpu.memory_space<hbm>>
        %dma_start3A_65 = tpu.memref_squeeze %dma_start3A_64 : memref<1x64xf32, #tpu.memory_space<hbm>> -> memref<64xf32, #tpu.memory_space<hbm>>
        %dma_start3A_66 = arith.constant 0 : i32
        %dma_start3A_67 = tpu.memref_slice %arg8[%add3A, %dma_start3A_66] : memref<4x64xf32, #tpu.memory_space<hbm>> -> memref<1x64xf32, #tpu.memory_space<hbm>>
        %dma_start3A_68 = tpu.memref_squeeze %dma_start3A_67 : memref<1x64xf32, #tpu.memory_space<hbm>> -> memref<64xf32, #tpu.memory_space<hbm>>
        tpu.enqueue_dma source(%arg19 : memref<64xf32, #tpu.memory_space<vmem>>) target(%dma_start3A_68 : memref<64xf32, #tpu.memory_space<hbm>>) target_semaphore(%run_scoped3A : memref<!tpu.dma_semaphore, #tpu.memory_space<semaphore_mem>>)
        %dma_wait3A = arith.constant 0 : i32
        %dma_wait3A_69 = tpu.memref_slice %arg8[%add3A, %dma_wait3A] : memref<4x64xf32, #tpu.memory_space<hbm>> -> memref<1x64xf32, #tpu.memory_space<hbm>>
        %dma_wait3A_70 = tpu.memref_squeeze %dma_wait3A_69 : memref<1x64xf32, #tpu.memory_space<hbm>> -> memref<64xf32, #tpu.memory_space<hbm>>
        %dma_wait3A_71 = arith.constant 0 : i32
        %dma_wait3A_72 = tpu.memref_slice %arg8[%add3A, %dma_wait3A_71] : memref<4x64xf32, #tpu.memory_space<hbm>> -> memref<1x64xf32, #tpu.memory_space<hbm>>
        %dma_wait3A_73 = tpu.memref_squeeze %dma_wait3A_72 : memref<1x64xf32, #tpu.memory_space<hbm>> -> memref<64xf32, #tpu.memory_space<hbm>>
        tpu.wait_dma2 semaphore(%run_scoped3A : memref<!tpu.dma_semaphore, #tpu.memory_space<semaphore_mem>>) src(%arg19 : memref<64xf32, #tpu.memory_space<vmem>>) dst(%dma_wait3A_73 : memref<64xf32, #tpu.memory_space<hbm>>)
        tpu.yield
      }) : () -> ()
      "tpu.region"() ({
        %run_scoped3A = tpu.sem_alloc : memref<!tpu.dma_semaphore, #tpu.memory_space<semaphore_mem>>
        %dma_start3A = arith.constant 0 : i32
        %dma_start3A_64 = tpu.memref_slice %arg9[%add3A, %dma_start3A] : memref<4x64xf32, #tpu.memory_space<hbm>> -> memref<1x64xf32, #tpu.memory_space<hbm>>
        %dma_start3A_65 = tpu.memref_squeeze %dma_start3A_64 : memref<1x64xf32, #tpu.memory_space<hbm>> -> memref<64xf32, #tpu.memory_space<hbm>>
        %dma_start3A_66 = arith.constant 0 : i32
        %dma_start3A_67 = tpu.memref_slice %arg9[%add3A, %dma_start3A_66] : memref<4x64xf32, #tpu.memory_space<hbm>> -> memref<1x64xf32, #tpu.memory_space<hbm>>
        %dma_start3A_68 = tpu.memref_squeeze %dma_start3A_67 : memref<1x64xf32, #tpu.memory_space<hbm>> -> memref<64xf32, #tpu.memory_space<hbm>>
        tpu.enqueue_dma source(%arg20 : memref<64xf32, #tpu.memory_space<vmem>>) target(%dma_start3A_68 : memref<64xf32, #tpu.memory_space<hbm>>) target_semaphore(%run_scoped3A : memref<!tpu.dma_semaphore, #tpu.memory_space<semaphore_mem>>)
        %dma_wait3A = arith.constant 0 : i32
        %dma_wait3A_69 = tpu.memref_slice %arg9[%add3A, %dma_wait3A] : memref<4x64xf32, #tpu.memory_space<hbm>> -> memref<1x64xf32, #tpu.memory_space<hbm>>
        %dma_wait3A_70 = tpu.memref_squeeze %dma_wait3A_69 : memref<1x64xf32, #tpu.memory_space<hbm>> -> memref<64xf32, #tpu.memory_space<hbm>>
        %dma_wait3A_71 = arith.constant 0 : i32
        %dma_wait3A_72 = tpu.memref_slice %arg9[%add3A, %dma_wait3A_71] : memref<4x64xf32, #tpu.memory_space<hbm>> -> memref<1x64xf32, #tpu.memory_space<hbm>>
        %dma_wait3A_73 = tpu.memref_squeeze %dma_wait3A_72 : memref<1x64xf32, #tpu.memory_space<hbm>> -> memref<64xf32, #tpu.memory_space<hbm>>
        tpu.wait_dma2 semaphore(%run_scoped3A : memref<!tpu.dma_semaphore, #tpu.memory_space<semaphore_mem>>) src(%arg20 : memref<64xf32, #tpu.memory_space<vmem>>) dst(%dma_wait3A_73 : memref<64xf32, #tpu.memory_space<hbm>>)
        tpu.yield
      }) : () -> ()
      "tpu.region"() ({
        %run_scoped3A = tpu.sem_alloc : memref<!tpu.dma_semaphore, #tpu.memory_space<semaphore_mem>>
        %dma_start3A = arith.constant 0 : i32
        %dma_start3A_64 = tpu.memref_slice %arg10[%add3A, %dma_start3A] : memref<4x64xf32, #tpu.memory_space<hbm>> -> memref<1x64xf32, #tpu.memory_space<hbm>>
        %dma_start3A_65 = tpu.memref_squeeze %dma_start3A_64 : memref<1x64xf32, #tpu.memory_space<hbm>> -> memref<64xf32, #tpu.memory_space<hbm>>
        %dma_start3A_66 = arith.constant 0 : i32
        %dma_start3A_67 = tpu.memref_slice %arg10[%add3A, %dma_start3A_66] : memref<4x64xf32, #tpu.memory_space<hbm>> -> memref<1x64xf32, #tpu.memory_space<hbm>>
        %dma_start3A_68 = tpu.memref_squeeze %dma_start3A_67 : memref<1x64xf32, #tpu.memory_space<hbm>> -> memref<64xf32, #tpu.memory_space<hbm>>
        tpu.enqueue_dma source(%arg21 : memref<64xf32, #tpu.memory_space<vmem>>) target(%dma_start3A_68 : memref<64xf32, #tpu.memory_space<hbm>>) target_semaphore(%run_scoped3A : memref<!tpu.dma_semaphore, #tpu.memory_space<semaphore_mem>>)
        %dma_wait3A = arith.constant 0 : i32
        %dma_wait3A_69 = tpu.memref_slice %arg10[%add3A, %dma_wait3A] : memref<4x64xf32, #tpu.memory_space<hbm>> -> memref<1x64xf32, #tpu.memory_space<hbm>>
        %dma_wait3A_70 = tpu.memref_squeeze %dma_wait3A_69 : memref<1x64xf32, #tpu.memory_space<hbm>> -> memref<64xf32, #tpu.memory_space<hbm>>
        %dma_wait3A_71 = arith.constant 0 : i32
        %dma_wait3A_72 = tpu.memref_slice %arg10[%add3A, %dma_wait3A_71] : memref<4x64xf32, #tpu.memory_space<hbm>> -> memref<1x64xf32, #tpu.memory_space<hbm>>
        %dma_wait3A_73 = tpu.memref_squeeze %dma_wait3A_72 : memref<1x64xf32, #tpu.memory_space<hbm>> -> memref<64xf32, #tpu.memory_space<hbm>>
        tpu.wait_dma2 semaphore(%run_scoped3A : memref<!tpu.dma_semaphore, #tpu.memory_space<semaphore_mem>>) src(%arg21 : memref<64xf32, #tpu.memory_space<vmem>>) dst(%dma_wait3A_73 : memref<64xf32, #tpu.memory_space<hbm>>)
        tpu.yield
      }) : () -> ()
      "tpu.region"() ({
        %run_scoped3A = tpu.sem_alloc : memref<!tpu.dma_semaphore, #tpu.memory_space<semaphore_mem>>
        %dma_start3A = arith.constant 0 : i32
        %dma_start3A_64 = tpu.memref_slice %arg11[%add3A, %dma_start3A] : memref<4x64xf32, #tpu.memory_space<hbm>> -> memref<1x64xf32, #tpu.memory_space<hbm>>
        %dma_start3A_65 = tpu.memref_squeeze %dma_start3A_64 : memref<1x64xf32, #tpu.memory_space<hbm>> -> memref<64xf32, #tpu.memory_space<hbm>>
        %dma_start3A_66 = arith.constant 0 : i32
        %dma_start3A_67 = tpu.memref_slice %arg11[%add3A, %dma_start3A_66] : memref<4x64xf32, #tpu.memory_space<hbm>> -> memref<1x64xf32, #tpu.memory_space<hbm>>
        %dma_start3A_68 = tpu.memref_squeeze %dma_start3A_67 : memref<1x64xf32, #tpu.memory_space<hbm>> -> memref<64xf32, #tpu.memory_space<hbm>>
        tpu.enqueue_dma source(%arg22 : memref<64xf32, #tpu.memory_space<vmem>>) target(%dma_start3A_68 : memref<64xf32, #tpu.memory_space<hbm>>) target_semaphore(%run_scoped3A : memref<!tpu.dma_semaphore, #tpu.memory_space<semaphore_mem>>)
        %dma_wait3A = arith.constant 0 : i32
        %dma_wait3A_69 = tpu.memref_slice %arg11[%add3A, %dma_wait3A] : memref<4x64xf32, #tpu.memory_space<hbm>> -> memref<1x64xf32, #tpu.memory_space<hbm>>
        %dma_wait3A_70 = tpu.memref_squeeze %dma_wait3A_69 : memref<1x64xf32, #tpu.memory_space<hbm>> -> memref<64xf32, #tpu.memory_space<hbm>>
        %dma_wait3A_71 = arith.constant 0 : i32
        %dma_wait3A_72 = tpu.memref_slice %arg11[%add3A, %dma_wait3A_71] : memref<4x64xf32, #tpu.memory_space<hbm>> -> memref<1x64xf32, #tpu.memory_space<hbm>>
        %dma_wait3A_73 = tpu.memref_squeeze %dma_wait3A_72 : memref<1x64xf32, #tpu.memory_space<hbm>> -> memref<64xf32, #tpu.memory_space<hbm>>
        tpu.wait_dma2 semaphore(%run_scoped3A : memref<!tpu.dma_semaphore, #tpu.memory_space<semaphore_mem>>) src(%arg22 : memref<64xf32, #tpu.memory_space<vmem>>) dst(%dma_wait3A_73 : memref<64xf32, #tpu.memory_space<hbm>>)
        tpu.yield
      }) : () -> ()
      %broadcast_in_dim3A_61 = vector.broadcast %while3A_56#2 : i32 to vector<16xi32>
      %swap3A_62 = arith.constant 0 : index
      %swap3A_63 = tpu.vector_load %arg23[%swap3A_62] {strides = array<i32>} : memref<16xi32, #tpu.memory_space<vmem>>, vector<16xi32>,
      tpu.vector_store %arg23[%swap3A_62], %broadcast_in_dim3A_61 {strides = array<i32>} : memref<16xi32, #tpu.memory_space<vmem>>, vector<16xi32>,
      "tpu.region"() ({
        %run_scoped3A = tpu.sem_alloc : memref<!tpu.dma_semaphore, #tpu.memory_space<semaphore_mem>>
        %dma_start3A = arith.constant 0 : i32
        %dma_start3A_64 = tpu.memref_slice %arg12[%add3A, %dma_start3A] : memref<4x16xi32, #tpu.memory_space<hbm>> -> memref<1x16xi32, #tpu.memory_space<hbm>>
        %dma_start3A_65 = tpu.memref_squeeze %dma_start3A_64 : memref<1x16xi32, #tpu.memory_space<hbm>> -> memref<16xi32, #tpu.memory_space<hbm>>
        %dma_start3A_66 = arith.constant 0 : i32
        %dma_start3A_67 = tpu.memref_slice %arg12[%add3A, %dma_start3A_66] : memref<4x16xi32, #tpu.memory_space<hbm>> -> memref<1x16xi32, #tpu.memory_space<hbm>>
        %dma_start3A_68 = tpu.memref_squeeze %dma_start3A_67 : memref<1x16xi32, #tpu.memory_space<hbm>> -> memref<16xi32, #tpu.memory_space<hbm>>
        tpu.enqueue_dma source(%arg23 : memref<16xi32, #tpu.memory_space<vmem>>) target(%dma_start3A_68 : memref<16xi32, #tpu.memory_space<hbm>>) target_semaphore(%run_scoped3A : memref<!tpu.dma_semaphore, #tpu.memory_space<semaphore_mem>>)
        %dma_wait3A = arith.constant 0 : i32
        %dma_wait3A_69 = tpu.memref_slice %arg12[%add3A, %dma_wait3A] : memref<4x16xi32, #tpu.memory_space<hbm>> -> memref<1x16xi32, #tpu.memory_space<hbm>>
        %dma_wait3A_70 = tpu.memref_squeeze %dma_wait3A_69 : memref<1x16xi32, #tpu.memory_space<hbm>> -> memref<16xi32, #tpu.memory_space<hbm>>
        %dma_wait3A_71 = arith.constant 0 : i32
        %dma_wait3A_72 = tpu.memref_slice %arg12[%add3A, %dma_wait3A_71] : memref<4x16xi32, #tpu.memory_space<hbm>> -> memref<1x16xi32, #tpu.memory_space<hbm>>
        %dma_wait3A_73 = tpu.memref_squeeze %dma_wait3A_72 : memref<1x16xi32, #tpu.memory_space<hbm>> -> memref<16xi32, #tpu.memory_space<hbm>>
        tpu.wait_dma2 semaphore(%run_scoped3A : memref<!tpu.dma_semaphore, #tpu.memory_space<semaphore_mem>>) src(%arg23 : memref<16xi32, #tpu.memory_space<vmem>>) dst(%dma_wait3A_73 : memref<16xi32, #tpu.memory_space<hbm>>)
        tpu.yield
      }) : () -> ()
    } else {
    }
    return
  }
}

</mosaic_0001>

<sc_bundles>
// kernel: kernel.3.cloned.1.call-start
scs
__scs_entry_jumppad:
0x0: {  	(pc) =	sbr.rel $0x88, $3  }
0x1: {  	(tag) =	ssettag $0x0;
	lr =	simm.s32 $0x1  }
0x2: {  	[smem:$0x3F9E] =	sst lr;
	_ =	strace $0xD0000000  }
0x3: {  	_ = 	snop  }
0x4: {  	_ = 	snop  }
0x5: {  	_ = 	snop  }
0x6: {  	_ = 	snop  }
0x7: {  	_ = 	snop  }
__scs_overlays_trampoline_lowered:
0x8: {  	[smem:$0x3FAD] =	sst s0  }
0x9: {  	[smem:$0x3FAE] =	sst s1  }
0xa: {  	[smem:$0x3FAF] =	sst s2  }
0xb: {  	[smem:$0x3FB0] =	sst s3  }
0xc: {  	[smem:$0x3FB1] =	sst s4  }
0xd: {  	[smem:$0x3FB2] =	sst s5  }
0xe: {  	[smem:$0x3FB3] =	sst s6  }
0xf: {  	[smem:$0x3FB4] =	sst s7  }
0x10: {  	[smem:$0x3FB5] =	sst s8  }
0x11: {  	[smem:$0x3FB6] =	sst s9;
	s0 =	simm.s32 @!p0 $0x0  }
0x12: {  	s1 =	sld [smem:$0x3F9C];
	s0 =	simm.s32 @p0 $0x1  }
0x13: {  	[smem:$0x3FB7] =	sst s0;
	s0 =	simm.s32 @!p1 $0x0  }
0x14: {  	s2 =	sld [smem:$0x3F9B];
	s0 =	simm.s32 @p1 $0x1  }
0x15: {  	[smem:$0x3FB8] =	sst s0;
	s0 =	simm.s32 @!p2 $0x0  }
0x16: {  	s3 =	sld [smem:$0x3FDB];
	s0 =	simm.s32 @p2 $0x1  }
0x17: {  	s4 =	simm.s32 $0x1BF5;
	[smem:$0x3FBA] =	sst s0  }
0x18: {  	s0 =	sld [smem:$0x3F9D];
	_ =	swait.ge [sflag:s4], $0x0  }
0x19: {  	s7 =	sld [smem:$0x3F9E]  }
0x1a: {  	s8 =	sadd.s32 $0xFFFFE003, lr  }
0x1b: {  	s9 =	sadd.s32 $0xFFFFFEF7, lr;
	s5 =	simm.s32 $0xFFFFFFFF;
	p2 =	slt.u32 s8, $0xFFFFF086  }
0x1c: {  	p1 =	slt.u32 s9, $0xF7A;
	s5 =	simm.s32 @!p2 $0x0  }
0x1d: {  	s5 =	simm.s32 @p1 $0x1;
	p0 =	seq.s32 s7, s2  }
0x1e: {  	s7 =	smul.u32 @!p0 $0xF7A, s2;
	p2 =	seq.s32 @!p0 s5, $0x0  }
0x1f: {  	s9 =	smul.u32 $0xF7A, s1;
	s8 =	simm.s32 @!p0 $0x1BF5;
	p2 =	por !p2, p0  }
0x20: {  	[sflag:s8] =	ssyncset.s32 @!p0 $0xFFFFF086;
	s6 =	sadd.s32 @!p0 s3, s7;
	s7 =	simm.s32 @!p0 $0x108  }
0x21: {  	s3 =	sadd.s32 s3, s9;
	s6 =	sadd.s32 @!p0 $0x88, s6;
	s7 =	simm.s32 @p2 $0x1082  }
0x22: {  	[simem:s7], [sflag:s8] =	dma.local @!p0 [hbm:s6], $0xF7A  }
0x23: {  	s9 =	sor.u32 $0xD0000000, s2;
	s6 =	simm.s32 $0x108;
	_ =	swait.ge @!p0 [sflag:s8], $0x0  }
0x24: {  	s3 =	sadd.s32 $0x88, s3;
	s6 =	simm.s32 @!p1 $0x1082;
	[sflag:s4] =	ssyncset.s32 $0xFFFFF086  }
0x25: {  	[simem:s6], [sflag:s4] =	dma.local [hbm:s3], $0xF7A  }
0x26: {  	[smem:$0x3F9E] =	sst s1;
	(tag) =	ssettag s2;
	_ =	strace s9  }
0x27: {  	s1 =	sld [smem:$0x3FAE]  }
0x28: {  	s2 =	sld [smem:$0x3FAF]  }
0x29: {  	s4 =	sld [smem:$0x3FB1]  }
0x2a: {  	p0 =	seq.s32 s5, $0x0;
	s5 =	sld [smem:$0x3FB2]  }
0x2b: {  	s6 =	sld [smem:$0x3FB3]  }
0x2c: {  	s7 =	sld [smem:$0x3FB4]  }
0x2d: {  	s3 =	simm.s32 $0x108;
	s8 =	sld [smem:$0x3FB5]  }
0x2e: {  	s3 =	simm.s32 @!p0 $0x1082;
	s9 =	sld [smem:$0x3FB6]  }
0x2f: {  	lr =	sadd.s32 s0, s3;
	s0 =	sld [smem:$0x3FAD]  }
0x30: {  	s3 =	sld [smem:$0x3FB0]  }
0x31: {  	[smem:$0x3FB9] =	sst s10  }
0x32: {  	s10 =	sld [smem:$0x3FB7];
	_ =	sdelay $0x3  }
0x33: {  	p0 =	seq.s32 s10, $0x1;
	s10 =	sld [smem:$0x3FB9];
	_ =	sdelay $0x3  }
0x34: {  	[smem:$0x3FB9] =	sst s10  }
0x35: {  	s10 =	sld [smem:$0x3FB8];
	_ =	sdelay $0x3  }
0x36: {  	p1 =	seq.s32 s10, $0x1;
	s10 =	sld [smem:$0x3FB9];
	_ =	sdelay $0x3  }
0x37: {  	[smem:$0x3FB9] =	sst s10  }
0x38: {  	s10 =	sld [smem:$0x3FBA]  }
0x39: {  	_ = 	snop;
	(pc) =	sbr.ind lr, $3  }
0x3a: {  	_ = 	snop  }
0x3b: {  	_ = 	snop  }
0x3c: {  	p2 =	seq.s32 s10, $0x1;
	s10 =	sld [smem:$0x3FB9]  }
0x3d: {  	_ =	shalt  }
0x3e: {  	_ =	shalt  }
0x3f: {  	_ =	shalt  }
0x40: {  	_ =	shalt  }
0x41: {  	_ =	shalt  }
0x42: {  	_ =	shalt  }
0x43: {  	_ =	shalt  }
0x44: {  	_ =	shalt  }
0x45: {  	_ =	shalt  }
0x46: {  	_ =	shalt  }
0x47: {  	_ =	shalt  }
0x48: {  	_ =	shalt  }
0x49: {  	_ =	shalt  }
0x4a: {  	_ =	shalt  }
0x4b: {  	_ =	shalt  }
0x4c: {  	_ =	shalt  }
0x4d: {  	_ =	shalt  }
0x4e: {  	_ =	shalt  }
0x4f: {  	_ =	shalt  }
0x50: {  	_ =	shalt  }
0x51: {  	_ =	shalt  }
0x52: {  	_ =	shalt  }
0x53: {  	_ =	shalt  }
0x54: {  	_ =	shalt  }
0x55: {  	_ =	shalt  }
0x56: {  	_ =	shalt  }
0x57: {  	_ =	shalt  }
0x58: {  	_ =	shalt  }
0x59: {  	_ =	shalt  }
0x5a: {  	_ =	shalt  }
0x5b: {  	_ =	shalt  }
0x5c: {  	_ =	shalt  }
0x5d: {  	_ =	shalt  }
0x5e: {  	_ =	shalt  }
0x5f: {  	_ =	shalt  }
0x60: {  	_ =	shalt  }
0x61: {  	_ =	shalt  }
0x62: {  	_ =	shalt  }
0x63: {  	_ =	shalt  }
0x64: {  	_ =	shalt  }
0x65: {  	_ =	shalt  }
0x66: {  	_ =	shalt  }
0x67: {  	_ =	shalt  }
0x68: {  	_ =	shalt  }
0x69: {  	_ =	shalt  }
0x6a: {  	_ =	shalt  }
0x6b: {  	_ =	shalt  }
0x6c: {  	_ =	shalt  }
0x6d: {  	_ =	shalt  }
0x6e: {  	_ =	shalt  }
0x6f: {  	_ =	shalt  }
0x70: {  	_ =	shalt  }
0x71: {  	_ =	shalt  }
0x72: {  	_ =	shalt  }
0x73: {  	_ =	shalt  }
0x74: {  	_ =	shalt  }
0x75: {  	_ =	shalt  }
0x76: {  	_ =	shalt  }
0x77: {  	_ =	shalt  }
0x78: {  	_ =	shalt  }
0x79: {  	_ =	shalt  }
0x7a: {  	_ =	shalt  }
0x7b: {  	_ =	shalt  }
0x7c: {  	_ =	shalt  }
0x7d: {  	_ =	shalt  }
0x7e: {  	_ =	shalt  }
0x7f: {  	_ =	shalt  }
0x80: {  	_ =	shalt  }
0x81: {  	_ =	shalt  }
0x82: {  	_ =	shalt  }
0x83: {  	_ =	shalt  }
0x84: {  	_ =	shalt  }
0x85: {  	_ =	shalt  }
0x86: {  	_ =	shalt  }
0x87: {  	_ =	shalt  }
.Lfunc_end0:
.L_simem_size_0:
called_computation_lowered:
.L_overlay_start_0:
0x88: {  	s2 =	sld [smem:$0x3FD9]  }
0x89: {  	s3 =	sld [smem:$0x3FFE];
	_ =	sdelay $0x1  }
0x8a: {  	s1 =	srdreg.scid  }
0x8b: {  	s0 =	sand.u32 $0x1, s1  }
0x8c: {  	s14 =	sshll.u32 s0, $0xA;
	s2 =	sadd.s32 s3, s2  }
0x8d: {  	s2 =	sadd.s32 s2, s14  }
0x8e: {  	[smem:$0x3FC5] =	sst s2  }
0x8f: {  	_ = 	snop  }
0x90: {  	s2 =	sld [smem:$0x3FD0];
	_ =	sdelay $0x2  }
0x91: {  	s15 =	simm.s32 $0xA;
	s4 =	simm.s32 $0x10  }
0x92: {  	[smem:s4], [sflag:s15] =	dma.local [hbm:s2], $0x1  }
0x93: {  	_ =	swait.eq [sflag:s15], $0x1  }
0x94: {  	[sflag:s15] =	ssyncset.done $0x0  }
0x95: {  	s16 =	sld [smem:$0x10];
	[sflag:s15] =	ssyncadd.s32 $0xFFFFFFFF  }
0x96: {  	s17 =	sld [smem:$0x11];
	(tm) =	ssettm $0x1  }
0x97: {  	s18 =	sld [smem:$0x3FFB];
	_ =	sdelay $0x3  }
0x98: {  	_ =	strace s18  }
0x99: {  	s4 =	sld [smem:$0x3FFC];
	_ =	sdelay $0x3  }
0x9a: {  	_ =	strace s4  }
0x9b: {  	s4 =	sld [smem:$0x3FFD];
	_ =	sdelay $0x3  }
0x9c: {  	_ =	strace s4  }
0x9d: {  	_ =	strace $0x8FFFFFFF  }
0x9e: {  	s19 =	sld [smem:$0x3FDB];
	_ =	sdelay $0x1  }
0x9f: {  	s5 =	simm.s32 $_scs_section_size  }
0xa0: {  	s6 =	simm.s32 $_size__tile_overlayer_lowered;
	s7 =	simm.s32 $_tile_overlayer_lowered  }
0xa1: {  	s22 =	simm.s32 $0x1BFF;
	s21 =	sshll.u32 s7, $0x1;
	s4 =	sadd.s32 s5, s19  }
0xa2: {  	s8 =	simm.s32 $0x0;
	s20 =	sshll.u32 s6, $0x1;
	s6 =	sadd.s32 s21, s4  }
0xa3: {  	[timem:s8], [sflag:s22] =	dma.local [hbm:s6], s20  }
0xa4: {  	_ =	swait.ge [sflag:s22], s20  }
0xa5: {  	s5 =	ssub.s32 $0x0, s20;
	[sflag:s22] =	ssyncset.done $0x0  }
0xa6: {  	[sflag:s22] =	ssyncadd.s32 s5;
	_ =	sdelay $0x1  }
0xa7: {  	s23 =	simm.s32 $0x1B8B  }
0xa8: {  	_ =	swait.ge [sflag:s23], $0x1  }
0xa9: {  	[sflag:s23] =	ssyncset.done $0x0  }
0xaa: {  	s25 =	simm.s32 $0x1B8E;
	s24 =	sld [smem:$0x3FFE];
	[sflag:s23] =	ssyncadd.s32 $0xFFFFFFFF  }
0xab: {  	s26 =	simm.s32 $execute0_lowered;
	[smem:$0x3FD2] =	sst s25  }
0xac: {  	s6 =	sshll.u32 s26, $0x1;
	_ =	strace $0x80000046;
	[dreg:$0x1] =	wrdreg $0xFFFFFFFF  }
0xad: {  	s28 =	simm.s32 $_size_execute0_lowered;
	s4 =	sadd.s32 s4, s6;
	[dreg:$0x0] =	wrdreg $0x0  }
0xae: {  	s6 =	sshll.u32 s28, $0x1;
	[dreg:$0x2] =	wrdreg s4  }
0xaf: {  	[dreg:$0x3] =	wrdreg s6  }
0xb0: {  	[dreg:$0x4] =	wrdreg $0xC0  }
0xb1: {  	_ =	task [dreg:s8], $0x5FFFF  }
0xb2: {  	[dreg:$0x1] =	wrdreg $0xFFFFFFFF  }
0xb3: {  	[dreg:$0x0] =	wrdreg $0x60  }
0xb4: {  	[dreg:$0x2] =	wrdreg s24  }
0xb5: {  	[dreg:$0x3] =	wrdreg s17  }
0xb6: {  	[dreg:$0x4] =	wrdreg s16  }
0xb7: {  	[dreg:$0x5] =	wrdreg $0x19800  }
0xb8: {  	[dreg:$0x6] =	wrdreg $0x9  }
0xb9: {  	_ =	task.clear_ibuf [dreg:s8], $0x7FFFF;
	_ =	strace $0x90000046  }
0xba: {  	s29 =	simm.s32 $0x9;
	_ =	strace $0x80000048  }
0xbb: {  	_ =	swait.ge [sflag:s29], $0x1  }
0xbc: {  	[sflag:s29] =	ssyncadd.s32 $0xFFFFFFFF  }
0xbd: {  	_ =	strace $0x90000048  }
0xbe: {  	_ =	sfence  }
0xbf: {  	s30 =	sld [smem:$0x0];
	_ =	sdelay $0x2  }
0xc0: {  	s31 =	sshll.u32 s1, $0xD;
	s1 =	sshrl.u32 s1, $0x2  }
0xc1: {  	s3 =	sand.u32 $0x4000, s31;
	s1 =	sadd.s32 s1, s30  }
0xc2: {  	s0 =	sor.u32 s3, s0;
	s1 =	sshll.u32 s1, $0x11  }
0xc3: {  	s0 =	sor.u32 s1, s0  }
0xc4: {  	s0 =	sadd.s32 $0x8F2B, s0  }
0xc5: {  	[sflag:s0] =	ssyncadd.remote.s32 $0x1  }
0xc6: {  	_ =	sfence.sel $0xFFFF  }
0xc7: {  	[dreg:$0x0] =	wrdreg $0xFFFFFFFF;
	(pc) =	sbr.abs _section_cstart, $3  }
0xc8: {  	[dreg:$0x1] =	wrdreg $0xFFFFFFFF  }
0xc9: {  	_ =	task.clear_ibuf [dreg:s8], $0x2FFFF;
	_ =	strace $0x9FFFFFFF  }
0xca: {  	(tm) =	ssettm $0x7FFFFFFF  }
0xcb: {  	_ =	shalt  }
tec
execute0_lowered:
.L_overlay_start_1:
0x0: {  	(tag) =	ssettag $0x1  }
0x1: {  	s0 =	rddreg [dreg:$0x0]  }
0x2: {  	s1 =	rddreg [dreg:$0x2]  }
0x3: {  	s3 =	rddreg [dreg:$0x3]  }
0x4: {  	s2 =	srdreg.scid;
	s4 =	stileid.u32  }
0x5: {  	s9 =	simm.s32 $0x0;
	s29 =	simm.s32 $0xF80;
	s30 =	simm.s32 $0x1000  }
0x6: {  	s31 =	simm.s32 $0x0;
	s2 =	sand.u32 $0x1, s2;
	s6 =	sshrl.u32 s4, $0x3  }
0x7: {  	s7 =	sand.u32 $0x7, s4;
	s22 =	smul.u32 $0x1C0, s4;
	s5 =	sshll.u32 s2, $0x1  }
0x8: {  	[smem:$0x7FF] =	sst s9;
	s15 =	smul.u32 $0xA00, s7;
	s8 =	sor.u32 s6, s5  }
0x9: {  	_ =	strace $0x80000047;
	s2 =	ssub.s32 $0x2, s2;
	s16 =	sshll.u32 s8, $0x7  }
0xa: {  	s18 =	sshrl.u32 s2, $0x1;
	s17 =	sshll.u32 s8, $0x4;
	s5 =	sor.u32 s15, s16  }
0xb: {  	s2 =	ssub.s32 s2, s18;
	s1 =	sadd.s32 s1, s17;
	s5 =	sshrl.u32 s5, $0x3  }
0xc: {  	s28 =	smax.u32 s2, $0x1;
	[dreg:$0xa] =	wrdreg s1;
	s10 =	sadd.s32 s5, s0  }
0xd: {  	s20 =	smul.u32 $0xE00, s6;
	[dreg:$0xf] =	wrdreg s28;
	s11 =	sadd.s32 $0x2A00, s10  }
0xe: {  	p0 =	sne.s32 s7, $0x0;
	s19 =	sadd.s32 $0x3400, s10;
	[dreg:$0x5] =	wrdreg s11  }
0xf: {  	s6 =	sxor.u32 $0x1, s6;
	s12 =	sadd.s32 $0x1600, s10;
	[dreg:$0x6] =	wrdreg s19  }
0x10: {  	s26 =	sshrl.u32 s22, $0x2;
	s21 =	sadd.s32 $0x2000, s10;
	[dreg:$0x7] =	wrdreg s12  }
0x11: {  	s0 =	sadd.s32 s17, s0;
	s10 =	sadd.s32 $0x3E00, s10;
	[dreg:$0x8] =	wrdreg s21  }
0x12: {  	v0 =	vlaneseq.u32;
	s22 =	simm.s32 $0x1;
	s23 =	sadd.s32 $0x4C00, s0;
	[dreg:$0x9] =	wrdreg s10  }
0x13: {  	v2 =	vmul.u32 $0xFFFFFFFF, v0;
	s6 =	smul.u32 $0xE00, s6;
	s24 =	sadd.s32 $0x4A00, s0;
	[dreg:$0xb] =	wrdreg s23  }
0x14: {  	s5 =	smul.u32 $0x280, s7;
	s25 =	sadd.s32 $0x4800, s0;
	[dreg:$0xc] =	wrdreg s24  }
0x15: {  	v4 =	vimm.f32 $1.000000000e+00;
	v2 =	vadd.s32 $0x1388, v2;
	v3 =	vmov s8;
	s0 =	sadd.s32 $0x4E00, s0;
	s11 =	sshrl.u32 s20, $0x2;
	[dreg:$0xd] =	wrdreg s25  }
0x16: {  	vm0 =	veq.s32 v3, v0;
	v3 =	vimm.f32 $0.0e+00;
	s12 =	sshrl.u32 s6, $0x2;
	[dreg:$0xe] =	wrdreg s0;
	s19 =	sadd.s32 s26, s3;
	v1 =	vor.u32 s5, v0  }
.LBB2_1:
0x17: {  	s4 =	simm.s32 $0x0  }
0x18: {  	s0 =	rddreg [dreg:$0x5];
	s1 =	simm.s32 $0x80;
	s2 =	simm.s32 $0x200  }
0x19: {  	[tilespmem:s4], [sflag:$0x1] =	stream.strided.gather [hbm4b:s0+s1], $0x280, s2, s1, $0x38;
	[tilespmem:$0x1A60] =	vst v63  }
0x1a: {  	_ =	swait.ge [sflag:s22], $0x280  }
0x1b: {  	[sflag:s22] =	ssyncset.done $0x0  }
0x1c: {  	s6 =	simm.s32 $0x280;
	s13 =	rddreg [dreg:$0x6];
	[sflag:s22] =	ssyncadd.s32 $0xFFFFFD80  }
0x1d: {  	[tilespmem:s6], [sflag:$0x1] =	stream.strided.gather [hbm4b:s13+s1], $0x280, s2, s1, $0x38;
	[tilespmem:$0x1A60] =	vst v63  }
0x1e: {  	_ =	swait.ge [sflag:s22], $0x280  }
0x1f: {  	[sflag:s22] =	ssyncset.done $0x0  }
0x20: {  	s15 =	simm.s32 $0x500;
	s14 =	rddreg [dreg:$0x7];
	[sflag:s22] =	ssyncadd.s32 $0xFFFFFD80  }
0x21: {  	[tilespmem:s15], [sflag:$0x1] =	stream.strided.gather [hbm4b:s14+s1], $0x280, s2, s1, $0x38;
	[tilespmem:$0x1A60] =	vst v63  }
0x22: {  	_ =	swait.ge [sflag:s22], $0x280  }
0x23: {  	[sflag:s22] =	ssyncset.done $0x0  }
0x24: {  	s17 =	simm.s32 $0x780;
	s16 =	rddreg [dreg:$0x8];
	[sflag:s22] =	ssyncadd.s32 $0xFFFFFD80  }
0x25: {  	[tilespmem:s17], [sflag:$0x1] =	stream.strided.gather [hbm4b:s16+s1], $0x280, s2, s1, $0x38;
	[tilespmem:$0x1A60] =	vst v63  }
0x26: {  	_ =	swait.ge [sflag:s22], $0x280  }
0x27: {  	[sflag:s22] =	ssyncset.done $0x0  }
0x28: {  	s20 =	simm.s32 $0xA00;
	s18 =	rddreg [dreg:$0x9];
	[sflag:s22] =	ssyncadd.s32 $0xFFFFFD80  }
0x29: {  	[tilespmem:s20], [sflag:$0x1] =	stream.strided.gather [hbm4b:s18+s1], $0x280, s2, s1, $0x38;
	[tilespmem:$0x1A60] =	vst v63  }
0x2a: {  	_ =	swait.ge [sflag:s22], $0x280  }
0x2b: {  	[sflag:s22] =	ssyncset.done $0x0  }
0x2c: {  	[sflag:s22] =	ssyncadd.s32 $0xFFFFFD80  }
0x2d: {  	s23 =	simm.s32 $0xC80;
	s21 =	rddreg [dreg:$0x1]  }
0x2e: {  	[tilespmem:s23], [sflag:$0x1] =	stream.linear.gather [hbm4b:s21+s4], $0x80, $0x38;
	[tilespmem:$0x1A60] =	vst v63  }
0x2f: {  	_ =	swait.ge [sflag:s22], $0x80  }
0x30: {  	[sflag:s22] =	ssyncset.done $0x0  }
0x31: {  	s0 =	simm.s32 $0x7C0;
	[sflag:s22] =	ssyncadd.s32 $0xFFFFFF80  }
0x32: {  	v5 =	vld [tilespmem:s0+$0x10]  }
0x33: {  	s2 =	simm.s32 $0x2C0;
	v6 =	vld [tilespmem:s0+$0x20]  }
0x34: {  	v7 =	vld [tilespmem:s2+$0x10]  }
0x35: {  	v8 =	vld [tilespmem:s0+$0x30]  }
0x36: {  	v9 =	vld [tilespmem:s2+$0x30]  }
0x37: {  	s1 =	simm.s32 $0x540;
	v10 =	vld [tilespmem:s2+$0x20]  }
0x38: {  	s6 =	simm.s32 $0x40;
	v13 =	vld [tilespmem:s1+$0x20]  }
0x39: {  	v14 =	vld [tilespmem:s6+$0x20]  }
0x3a: {  	v62 =	vld [tilespmem:s1+$0xFFFFFFF0]  }
0x3b: {  	s8 =	sadd.s32 $0x0, s5;
	v63 =	vld [tilespmem:s6+$0xFFFFFFF0]  }
0x3c: {  	v12 =	vimm.f32 $-2.000000000e+00;
	v11 =	vimm.s32 $0x0;
	s24 =	sadd.s32 $0x50, s8;
	v17 =	vmov s8;
	s10 =	sadd.s32 $0x30, s8  }
0x3d: {  	s7 =	sadd.s32 $0x40, s8;
	v19 =	vmov s24;
	v23 =	vmov s10;
	v15 =	vmin.f32 v7, v5  }
0x3e: {  	v7 =	vmax.f32 v7, v5;
	v5 =	vmov s7;
	v16 =	vmin.f32 v9, v8  }
0x3f: {  	v18 =	vld [tilespmem:s1+$0x30];
	v9 =	vmax.f32 v9, v8;
	v8 =	vmin.f32 v10, v6;
	v6 =	vmax.f32 v10, v6  }
0x40: {  	v21 =	vld [tilespmem:s6+$0x30];
	v10 =	vmax.f32 v14, v13;
	v36 =	vmax.f32 v63, v62;
	v20 =	vmul.f32 $8.000000000e+02, v8  }
0x41: {  	s25 =	sadd.s32 $0x20, s8;
	v25 =	vld [tilespmem:s1+$0x10];
	v16 =	vmul.f32 $8.000000000e+02, v16;
	v22 =	vmul.f32 $8.000000000e+02, v6;
	v6 =	vmin.f32 v14, v13  }
0x42: {  	v28 =	vld [tilespmem:s6+$0x10];
	v13 =	vmul.f32 $8.000000000e+02, v9;
	v9 =	vmov s25;
	v10 =	vmul.f32 $1.333000000e+03, v10  }
0x43: {  	s26 =	sadd.s32 $0x70, s8;
	v15 =	vmul.f32 $8.000000000e+02, v15;
	v6 =	vmul.f32 $1.333000000e+03, v6;
	vm1 =	vlt.u32 v9, v2  }
0x44: {  	v30 =	vld [tilespmem:s0+$0xFFFFFFF0];
	v9 =	vmov s26;
	v24 =	vsub.f32 v22, v20;
	v26 =	vsub.f32 v13, v16  }
0x45: {  	v31 =	vld [tilespmem:s0+$0xFFFFFFE0];
	s7 =	simm.s32 $0xA40;
	vm2 =	vlt.u32 v9, v2;
	v9 =	vmin.f32 v21, v18;
	v18 =	vmax.f32 v21, v18  }
0x46: {  	v29 =	vld [tilespmem:s7+$0x20];
	v27 =	vsub.f32 v10, v6;
	v21 =	vmul.f32 $1.333000000e+03, v9;
	v18 =	vmul.f32 $1.333000000e+03, v18;
	[tilespmem:s6+$0x20] =	vst v6  }
0x47: {  	v33 =	vld [tilespmem:s6+$0xFFFFFFC0];
	vm3 =	vgt.f32 v24, $8.000000000e+01;
	[tilespmem:s2+$0x20] =	vst v20;
	v20 =	vmul.f32 $8.000000000e+02, v7;
	v7 =	vmin.f32 v28, v25  }
0x48: {  	s9 =	sadd.s32 $0x10, s8;
	s8 =	sadd.s32 $0x60, s8;
	v14 =	vld [tilespmem:s7+$0x30];
	v25 =	vmax.f32 v28, v25;
	v24 =	vmul.f32 v24, v27;
	vm4 =	vgt.f32 v27, $1.333000030e+02  }
0x49: {  	v9 =	vld [tilespmem:s7+$0x10];
	v27 =	vmov s8;
	v6 =	vsub.f32 v18, v21;
	[tilespmem:s6+$0x30] =	vst v21;
	v21 =	vmul.f32 $1.333000000e+03, v7  }
0x4a: {  	v25 =	vmul.f32 $1.333000000e+03, v25;
	vm3 =	vmand vm4, vm3;
	vm4 =	vlt.u32 v27, v2;
	v27 =	vld [tilespmem:s0+$0xFFFFFFD0]  }
0x4b: {  	vm5 =	vgt.f32 v26, $8.000000000e+01;
	[tilespmem:s2+$0x30] =	vst v16;
	v16 =	vld [tilespmem:s2+$0xFFFFFFD0];
	vm3 =	vmand vm4, vm3;
	vm4 =	vgt.f32 v6, $1.333000030e+02  }
0x4c: {  	v28 =	vld [tilespmem:s1+$0xFFFFFFD0];
	v32 =	vsub.f32 v20, v15;
	[tilespmem:s1+$0x30] =	vst v18;
	v18 =	vsub.f32 v25, v21;
	vm4 =	vmand vm4, vm5  }
0x4d: {  	[tilespmem:s1+$0x20] =	vst v10;
	v26 =	vmul.f32 v26, v6;
	v7 =	vnsel vm3, $0xBF800000, v29;
	v29 =	vld [tilespmem:s1+$0xFFFFFFC0];
	vm2 =	vmand vm2, vm4  }
0x4e: {  	[tilespmem:s0+$0x30] =	vst v13;
	v13 =	vld [tilespmem:s0+$0xFFFFFFC0];
	vm3 =	vgt.f32 v18, $1.333000030e+02;
	v6 =	vnsel vm2, $0xBF800000, v14;
	vm2 =	vgt.f32 v32, $8.000000000e+01  }
0x4f: {  	v8 =	vmov s9;
	[tilespmem:s0+$0x20] =	vst v22;
	v10 =	vmul.f32 v32, v18;
	v14 =	vld [tilespmem:s2+$0xFFFFFFC0];
	vm2 =	vmand vm3, vm2  }
0x50: {  	[tilespmem:s6+$0x10] =	vst v21;
	v18 =	vld [tilespmem:s6+$0xFFFFFFD0];
	vm3 =	vlt.u32 v19, v2;
	v19 =	vmin.f32 v16, v27;
	v16 =	vmax.f32 v16, v27  }
0x51: {  	vm1 =	vmmov vm1;
	s8 =	simm.s32 $0x1740;
	[tilespmem:s7+$0x30] =	vst v6;
	v27 =	vld [tilespmem:s6+$0xFFFFFFE0];
	v19 =	vmul.f32 $8.000000000e+02, v19;
	v22 =	vmul.f32 $8.000000000e+02, v16  }
0x52: {  	vm4 =	vlt.u32 v17, v2;
	[tilespmem:s8+$0x30] =	vst v26;
	vm2 =	vmand vm3, vm2;
	v26 =	vld [tilespmem:s2+$0xFFFFFFE0];
	vm3 =	vlt.u32 v23, v2  }
0x53: {  	[tilespmem:s2+$0x10] =	vst v15;
	v17 =	vmin.f32 v33, v29;
	v21 =	vmax.f32 v33, v29;
	v29 =	vld [tilespmem:s1+$0xFFFFFFE0];
	v16 =	vsub.f32 v22, v19  }
0x54: {  	[tilespmem:s7+$0x20] =	vst v7;
	v23 =	vld [tilespmem:s2+$0xFFFFFFF0];
	v17 =	vmul.f32 $1.333000000e+03, v17;
	v15 =	vmul.f32 $1.333000000e+03, v21;
	v21 =	vmax.f32 v14, v13  }
0x55: {  	[tilespmem:s1+$0x10] =	vst v25;
	v13 =	vmin.f32 v14, v13;
	v14 =	vmin.f32 v18, v28;
	v28 =	vmax.f32 v18, v28  }
0x56: {  	v35 =	vld [tilespmem:s6+$0x0];
	[tilespmem:s0+$0x10] =	vst v20;
	v25 =	vmul.f32 $8.000000000e+02, v21;
	v13 =	vmul.f32 $8.000000000e+02, v13;
	v20 =	vsub.f32 v15, v17  }
0x57: {  	[tilespmem:s8+$0x20] =	vst v24;
	v24 =	vld [tilespmem:s7+$0xFFFFFFC0];
	v34 =	vmul.f32 $1.333000000e+03, v14;
	v21 =	vmax.f32 v26, v31;
	v26 =	vmin.f32 v26, v31  }
0x58: {  	[tilespmem:s6+$0xFFFFFFC0] =	vst v17;
	v31 =	vld [tilespmem:s1+$0x0];
	v14 =	vmul.f32 $8.000000000e+02, v21;
	v18 =	vsub.f32 v25, v13;
	v17 =	vmax.f32 v27, v29  }
0x59: {  	vm5 =	vgt.f32 v20, $1.333000030e+02;
	[tilespmem:s2+$0xFFFFFFC0] =	vst v13;
	v13 =	vmax.f32 v23, v30;
	v17 =	vmul.f32 $1.333000000e+03, v17  }
0x5a: {  	[tilespmem:s1+$0xFFFFFFC0] =	vst v15;
	v21 =	vmul.f32 $8.000000000e+02, v13;
	v13 =	vmin.f32 v23, v30;
	v15 =	vmul.f32 v18, v20  }
0x5b: {  	vm6 =	vgt.f32 v18, $8.000000000e+01;
	[tilespmem:s0+$0xFFFFFFC0] =	vst v25;
	v20 =	vmul.f32 $8.000000000e+02, v26;
	v23 =	vmul.f32 $8.000000000e+02, v13  }
0x5c: {  	v18 =	vld [tilespmem:s7+$0xFFFFFFD0];
	[tilespmem:s6+$0xFFFFFFD0] =	vst v34;
	v26 =	vmul.f32 $1.333000000e+03, v28;
	v28 =	vmul.f32 $1.333000000e+03, v36;
	vm5 =	vmand vm5, vm6  }
0x5d: {  	[tilespmem:s2+$0xFFFFFFD0] =	vst v19;
	v19 =	vmin.f32 v27, v29;
	vm4 =	vmand vm4, vm5;
	v25 =	vmin.f32 v35, v31  }
0x5e: {  	v30 =	vld [tilespmem:s0+$0x0];
	[tilespmem:s1+$0xFFFFFFD0] =	vst v26;
	v31 =	vmax.f32 v35, v31;
	v34 =	vsub.f32 v26, v34;
	v13 =	vnsel vm4, $0xBF800000, v24  }
0x5f: {  	v27 =	vld [tilespmem:s2+$0x0];
	v29 =	vsub.f32 v21, v23;
	v24 =	vmin.f32 v63, v62;
	[tilespmem:s0+$0xFFFFFFD0] =	vst v22;
	vm4 =	vgt.f32 v13, v12  }
0x60: {  	[tilespmem:s7+$0xFFFFFFC0] =	vst v13;
	v13 =	vmax.f32 v12, v13;
	v12 =	vsel vm4, s4, v11;
	v11 =	vmul.f32 $1.333000000e+03, v24  }
0x61: {  	s28 =	simm.s32 $0x340;
	s10 =	simm.s32 $0xA40;
	v33 =	vld [tilespmem:s7+$0xFFFFFFF0];
	v25 =	vmul.f32 $1.333000000e+03, v25;
	[tilespmem:s8+$0xFFFFFFC0] =	vst v15;
	v24 =	vsub.f32 v14, v20;
	v15 =	vmul.f32 $1.333000000e+03, v19  }
0x62: {  	s24 =	simm.s32 $0x80;
	s13 =	simm.s32 $0x5C0;
	s23 =	simm.s32 $0x1740;
	vm5 =	vgt.f32 v34, $1.333000030e+02;
	v22 =	vmul.f32 v16, v34;
	v19 =	vld [tilespmem:s7+$0xFFFFFFE0];
	v32 =	vsub.f32 v28, v11;
	[tilespmem:s6+$0xFFFFFFF0] =	vst v11  }
0x63: {  	s25 =	simm.s32 $0x840;
	s9 =	simm.s32 $0x0;
	s26 =	simm.s32 $0xC0;
	vm6 =	vgt.f32 v29, $8.000000000e+01;
	vm4 =	vgt.f32 v24, $8.000000000e+01;
	v26 =	vsub.f32 v17, v15;
	[tilespmem:s6+$0xFFFFFFE0] =	vst v15;
	v15 =	vld [tilespmem:s7+$0x0]  }
.LBB2_2:
0x64: {  	v11 =	vld [tilespmem:s26+$0x0];
	p1 =	slt.u32 s24, $0x200;
	vm7 =	vgt.f32 v32, $1.333000030e+02;
	v34 =	vmin.f32 v27, v30;
	s7 =	sadd.s32 $0x80, s7;
	s8 =	sadd.s32 $0x80, s8  }
0x65: {  	s14 =	smov.u32 s24;
	s24 =	sadd.s32 $0x80, s24;
	v35 =	vld [tilespmem:s25+$0x10];
	vm6 =	vmand vm7, vm6  }
0x66: {  	v34 =	vmul.f32 $8.000000000e+02, v34;
	v36 =	vld [tilespmem:s25+$0x20];
	vm3 =	vmand vm3, vm6;
	[tilespmem:s2+$0xFFFFFFF0] =	vst v23  }
0x67: {  	v29 =	vmul.f32 v29, v32;
	v27 =	vmax.f32 v27, v30;
	v37 =	vld [tilespmem:s28+$0x10];
	v23 =	vnsel vm3, $0xBF800000, v33;
	[tilespmem:s6+$0x0] =	vst v25;
	s6 =	smov.u32 s26  }
0x68: {  	v31 =	vmul.f32 $1.333000000e+03, v31;
	v27 =	vmul.f32 $8.000000000e+02, v27;
	v30 =	vld [tilespmem:s25+$0x30];
	[tilespmem:s2+$0x0] =	vst v34  }
0x69: {  	v24 =	vmul.f32 v24, v26;
	vm3 =	vgt.f32 v16, $8.000000000e+01;
	v32 =	vld [tilespmem:s13+$0x30];
	[tilespmem:s1+$0xFFFFFFF0] =	vst v28  }
0x6a: {  	vm6 =	vgt.f32 v26, $1.333000030e+02;
	v25 =	vsub.f32 v31, v25;
	v26 =	vsub.f32 v27, v34;
	v16 =	vld [tilespmem:s28+$0x30];
	[tilespmem:s1+$0x0] =	vst v31  }
0x6b: {  	vm4 =	vmand vm6, vm4;
	vm3 =	vmand vm5, vm3;
	vm5 =	vlt.u32 v8, v2;
	v28 =	vld [tilespmem:s28+$0x20];
	[tilespmem:s0+$0x0] =	vst v27  }
0x6c: {  	s16 =	sadd.s32 s14, s5;
	vm6 =	vgt.f32 v26, $8.000000000e+01;
	vm7 =	vgt.f32 v25, $1.333000030e+02;
	v27 =	vld [tilespmem:s13+$0x20];
	[tilespmem:s0+$0xFFFFFFF0] =	vst v21;
	v21 =	vmul.f32 v26, v25  }
0x6d: {  	s17 =	sadd.s32 $0x10, s16;
	s18 =	sadd.s32 $0x20, s16;
	s4 =	sadd.s32 $0x30, s16;
	vm5 =	vmand vm5, vm3;
	v25 =	vmin.f32 v37, v35;
	v26 =	vmax.f32 v37, v35;
	v31 =	vld [tilespmem:s26+$0x20];
	[tilespmem:s10+$0xFFFFFFF0] =	vst v23  }
0x6e: {  	s20 =	sadd.s32 $0x40, s16;
	s15 =	sadd.s32 $0x60, s16;
	s21 =	sadd.s32 $0x70, s16;
	vm3 =	vmand vm7, vm6;
	v33 =	vld [tilespmem:s7+$0x30];
	[tilespmem:s2+$0xFFFFFFE0] =	vst v20;
	v20 =	vnsel vm2, $0xBF800000, v9  }
0x6f: {  	v9 =	vmov s20;
	s20 =	sadd.s32 $0x50, s16;
	s2 =	smov.u32 s28;
	v34 =	vmin.f32 v16, v30;
	v30 =	vmax.f32 v16, v30;
	[tilespmem:s1+$0xFFFFFFE0] =	vst v17;
	s1 =	smov.u32 s13  }
0x70: {  	v18 =	vnsel vm5, $0xBF800000, v18;
	v16 =	vmov s16;
	v8 =	vmin.f32 v28, v36;
	[tilespmem:s10+$0x10] =	vst v20  }
0x71: {  	v17 =	vmov s20;
	v28 =	vmax.f32 v28, v36;
	v35 =	vmul.f32 $8.000000000e+02, v8;
	[tilespmem:s10+$0xFFFFFFD0] =	vst v18  }
0x72: {  	v34 =	vmul.f32 $8.000000000e+02, v34;
	v8 =	vmov s17;
	v36 =	vmax.f32 v31, v27;
	[tilespmem:s0+$0xFFFFFFE0] =	vst v14;
	s0 =	smov.u32 s25  }
0x73: {  	v37 =	vmov s18;
	v28 =	vmul.f32 $8.000000000e+02, v28;
	v14 =	vmov s4;
	[tilespmem:s23+$0x10] =	vst v10  }
0x74: {  	vm2 =	vlt.u32 v37, v2;
	v30 =	vmul.f32 $8.000000000e+02, v30;
	v10 =	vmin.f32 v31, v27;
	v27 =	vld [tilespmem:s26+$0x30];
	[tilespmem:s23+$0xFFFFFFF0] =	vst v29  }
0x75: {  	vm4 =	vmand vm1, vm4;
	v10 =	vmul.f32 $1.333000000e+03, v10;
	v29 =	vmul.f32 $1.333000000e+03, v36;
	v31 =	vld [tilespmem:s7+$0x20];
	[tilespmem:s23+$0xFFFFFFD0] =	vst v22  }
0x76: {  	v37 =	vmov s21;
	v36 =	vsub.f32 v30, v34;
	v22 =	vsub.f32 v28, v35  }
0x77: {  	v19 =	vnsel vm4, $0xBF800000, v19;
	vm1 =	vlt.u32 v37, v2;
	v38 =	vsub.f32 v29, v10  }
0x78: {  	vm6 =	vlt.u32 v5, v2;
	vm5 =	vgt.f32 v18, v13;
	v5 =	vmovc v9;
	vm4 =	vgt.f32 v22, $8.000000000e+01;
	[tilespmem:s10+$0xFFFFFFE0] =	vst v19  }
0x79: {  	v22 =	vmul.f32 v22, v38;
	[tilespmem:s26+$0x20] =	vst v10;
	v9 =	vmin.f32 v27, v32;
	v10 =	vmax.f32 v27, v32  }
0x7a: {  	v13 =	vmax.f32 v13, v18;
	s4 =	sadd.s32 $0x10, s9;
	v9 =	vmul.f32 $1.333000000e+03, v9;
	v10 =	vmul.f32 $1.333000000e+03, v10;
	[tilespmem:s23+$0xFFFFFFE0] =	vst v24  }
0x7b: {  	v12 =	vsel vm5, s4, v12;
	vm5 =	vgt.f32 v19, v13;
	vm7 =	vgt.f32 v38, $1.333000030e+02;
	[tilespmem:s28+$0x20] =	vst v35  }
0x7c: {  	vm3 =	vmand vm6, vm3;
	v18 =	vmov s15;
	vm4 =	vmand vm7, vm4;
	[tilespmem:s26+$0x30] =	vst v9  }
0x7d: {  	vm6 =	vlt.u32 v18, v2;
	s4 =	sadd.s32 $0x20, s9;
	vm7 =	vgt.f32 v36, $8.000000000e+01;
	v9 =	vsub.f32 v10, v9;
	v24 =	vld [tilespmem:s13+$0x10];
	[tilespmem:s28+$0x30] =	vst v34  }
0x7e: {  	v12 =	vsel vm5, s4, v12;
	vm4 =	vmand vm6, vm4;
	v18 =	vld [tilespmem:s26+$0x10];
	[tilespmem:s13+$0x30] =	vst v10;
	v10 =	vmax.f32 v13, v19  }
0x7f: {  	v13 =	vnsel vm4, $0xBF800000, v31;
	vm4 =	vgt.f32 v9, $1.333000030e+02;
	v19 =	vmul.f32 v36, v9;
	[tilespmem:s13+$0x20] =	vst v29  }
0x80: {  	v25 =	vmul.f32 $8.000000000e+02, v25;
	s4 =	sadd.s32 $0x30, s9;
	vm4 =	vmand vm4, vm7;
	vm5 =	vgt.f32 v23, v10;
	[tilespmem:s25+$0x30] =	vst v30  }
0x81: {  	v15 =	vnsel vm3, $0xBF800000, v15;
	vm1 =	vmand vm1, vm4;
	v12 =	vsel vm5, s4, v12;
	[tilespmem:s25+$0x20] =	vst v28  }
0x82: {  	v26 =	vmul.f32 $8.000000000e+02, v26;
	v10 =	vmax.f32 v10, v23;
	v27 =	vnsel vm1, $0xBF800000, v33;
	[tilespmem:s10+$0x0] =	vst v15;
	s10 =	smov.u32 s7  }
0x83: {  	s4 =	sadd.s32 $0x40, s9;
	vm1 =	vgt.f32 v15, v10;
	v10 =	vmax.f32 v10, v15;
	v23 =	vmin.f32 v18, v24;
	v9 =	vld [tilespmem:s7+$0x10];
	[tilespmem:s7+$0x30] =	vst v27  }
0x84: {  	v12 =	vsel vm1, s4, v12;
	vm1 =	vgt.f32 v20, v10;
	v18 =	vmax.f32 v18, v24;
	v15 =	vld [tilespmem:s13+$0xFFFFFFF0];
	[tilespmem:s8+$0x30] =	vst v19  }
0x85: {  	v10 =	vmax.f32 v10, v20;
	s4 =	sadd.s32 $0x50, s9;
	v23 =	vmul.f32 $1.333000000e+03, v23;
	v18 =	vmul.f32 $1.333000000e+03, v18;
	v19 =	vld [tilespmem:s25+$0xFFFFFFF0];
	[tilespmem:s23+$0x0] =	vst v21;
	s23 =	smov.u32 s8  }
0x86: {  	v12 =	vsel vm1, s4, v12;
	vm1 =	vgt.f32 v7, v10;
	v10 =	vmax.f32 v10, v7;
	s4 =	sadd.s32 $0x60, s9;
	v7 =	vmovc v13;
	v20 =	vld [tilespmem:s25+$0xFFFFFFE0];
	[tilespmem:s7+$0x20] =	vst v13  }
0x87: {  	v24 =	vsub.f32 v26, v25;
	v12 =	vsel vm1, s4, v12;
	v21 =	vsub.f32 v18, v23;
	v13 =	vld [tilespmem:s13+$0xFFFFFFD0];
	[tilespmem:s26+$0x10] =	vst v23  }
0x88: {  	vm3 =	vgt.f32 v6, v10;
	s4 =	sadd.s32 $0x70, s9;
	vm1 =	vmmov vm2;
	s9 =	smov.u32 s14;
	v23 =	vld [tilespmem:s25+$0xFFFFFFD0];
	[tilespmem:s28+$0x10] =	vst v25;
	v25 =	vmax.f32 v10, v6;
	v6 =	vmovc v27  }
0x89: {  	vm2 =	vgt.f32 v24, $8.000000000e+01;
	v12 =	vsel vm3, s4, v12;
	vm4 =	vgt.f32 v21, $1.333000030e+02;
	v27 =	vld [tilespmem:s28+$0xFFFFFFD0];
	[tilespmem:s13+$0x10] =	vst v18  }
0x8a: {  	vm3 =	vlt.u32 v17, v2;
	v10 =	vmul.f32 v24, v21;
	vm2 =	vmand vm4, vm2;
	v18 =	vld [tilespmem:s26+$0xFFFFFFC0];
	[tilespmem:s25+$0x10] =	vst v26  }
0x8b: {  	vm2 =	vmand vm3, vm2;
	v17 =	vld [tilespmem:s25+$0xFFFFFFC0];
	[tilespmem:s8+$0x20] =	vst v22  }
0x8c: {  	v21 =	vld [tilespmem:s13+$0xFFFFFFC0]  }
0x8d: {  	v22 =	vld [tilespmem:s28+$0xFFFFFFC0]  }
0x8e: {  	v24 =	vld [tilespmem:s26+$0xFFFFFFD0];
	v26 =	vmin.f32 v27, v23;
	v23 =	vmax.f32 v27, v23  }
0x8f: {  	v26 =	vmul.f32 $8.000000000e+02, v26;
	v29 =	vmul.f32 $8.000000000e+02, v23;
	v23 =	vld [tilespmem:s28+$0xFFFFFFE0]  }
0x90: {  	vm4 =	vlt.u32 v16, v2;
	vm3 =	vlt.u32 v14, v2;
	v27 =	vld [tilespmem:s26+$0xFFFFFFE0]  }
0x91: {  	v14 =	vmin.f32 v18, v21;
	v18 =	vmax.f32 v18, v21;
	v16 =	vsub.f32 v29, v26;
	v28 =	vld [tilespmem:s13+$0xFFFFFFE0]  }
0x92: {  	v14 =	vmul.f32 $1.333000000e+03, v14;
	v18 =	vmul.f32 $1.333000000e+03, v18;
	v21 =	vmax.f32 v22, v17;
	v30 =	vld [tilespmem:s28+$0xFFFFFFF0]  }
0x93: {  	v17 =	vmin.f32 v22, v17;
	v21 =	vmul.f32 $8.000000000e+02, v21;
	v22 =	vld [tilespmem:s7+$0xFFFFFFC0];
	v31 =	vmin.f32 v24, v13  }
0x94: {  	v17 =	vmul.f32 $8.000000000e+02, v17;
	v32 =	vsub.f32 v18, v14;
	[tilespmem:s26+$0xFFFFFFC0] =	vst v14;
	v14 =	vmax.f32 v23, v20;
	v33 =	vld [tilespmem:s26+$0xFFFFFFF0]  }
0x95: {  	v24 =	vmax.f32 v24, v13;
	v34 =	vmul.f32 $1.333000000e+03, v31;
	v14 =	vmul.f32 $8.000000000e+02, v14  }
0x96: {  	v20 =	vmin.f32 v23, v20;
	v13 =	vsub.f32 v21, v17;
	[tilespmem:s28+$0xFFFFFFC0] =	vst v17;
	v17 =	vmax.f32 v27, v28  }
0x97: {  	vm5 =	vgt.f32 v32, $1.333000030e+02;
	[tilespmem:s13+$0xFFFFFFC0] =	vst v18;
	v17 =	vmul.f32 $1.333000000e+03, v17;
	v23 =	vmax.f32 v30, v19;
	v31 =	vld [tilespmem:s13+$0x0]  }
0x98: {  	vm6 =	vgt.f32 v13, $8.000000000e+01;
	v32 =	vmul.f32 v13, v32;
	[tilespmem:s25+$0xFFFFFFC0] =	vst v21;
	v18 =	vld [tilespmem:s7+$0xFFFFFFD0];
	v21 =	vmul.f32 $8.000000000e+02, v23  }
0x99: {  	v13 =	vmin.f32 v30, v19;
	vm5 =	vmand vm5, vm6;
	[tilespmem:s26+$0xFFFFFFD0] =	vst v34;
	v35 =	vmax.f32 v33, v15  }
0x9a: {  	v20 =	vmul.f32 $8.000000000e+02, v20;
	v23 =	vmul.f32 $8.000000000e+02, v13;
	vm4 =	vmand vm4, vm5;
	[tilespmem:s28+$0xFFFFFFD0] =	vst v26  }
0x9b: {  	v19 =	vmin.f32 v27, v28;
	v15 =	vmin.f32 v33, v15;
	v13 =	vnsel vm4, $0xBF800000, v22  }
0x9c: {  	vm4 =	vgt.f32 v13, v25;
	[tilespmem:s7+$0xFFFFFFC0] =	vst v13;
	v13 =	vmax.f32 v25, v13;
	v22 =	vmin.f32 v11, v31  }
0x9d: {  	v26 =	vmul.f32 $1.333000000e+03, v24;
	v24 =	vsub.f32 v14, v20;
	v12 =	vsel vm4, s9, v12;
	[tilespmem:s8+$0xFFFFFFC0] =	vst v32;
	v27 =	vld [tilespmem:s28+$0x0]  }
.Ltmp0:
0x9e: {  	v15 =	vmul.f32 $1.333000000e+03, v15;
	v31 =	vmax.f32 v11, v31;
	v25 =	vmul.f32 $1.333000000e+03, v22;
	v30 =	vld [tilespmem:s25+$0x0];
	(pc) =	sbr.rel @p1 .LBB2_2-.Ltmp0, $4  }
0x9f: {  	v28 =	vmul.f32 $1.333000000e+03, v35;
	v11 =	vmul.f32 $1.333000000e+03, v19;
	vm4 =	vgt.f32 v24, $8.000000000e+01;
	[tilespmem:s13+$0xFFFFFFD0] =	vst v26  }
0xa0: {  	v22 =	vsub.f32 v26, v34;
	[tilespmem:s25+$0xFFFFFFD0] =	vst v29;
	v29 =	vsub.f32 v21, v23;
	v33 =	vld [tilespmem:s7+$0xFFFFFFF0]  }
0xa1: {  	v32 =	vsub.f32 v28, v15;
	v26 =	vsub.f32 v17, v11;
	s25 =	sadd.s32 $0x80, s25;
	v19 =	vld [tilespmem:s7+$0xFFFFFFE0];
	[tilespmem:s26+$0xFFFFFFF0] =	vst v15  }
0xa2: {  	s28 =	sadd.s32 $0x80, s28;
	vm5 =	vgt.f32 v22, $1.333000030e+02;
	v22 =	vmul.f32 v16, v22;
	s13 =	sadd.s32 $0x80, s13;
	s26 =	sadd.s32 $0x80, s26;
	[tilespmem:s6+$0xFFFFFFE0] =	vst v11;
	vm6 =	vgt.f32 v29, $8.000000000e+01;
	v15 =	vld [tilespmem:s7+$0x0]  }
0xa3: {  	[tilespmem:s2+$0xFFFFFFF0] =	vst v23  }
0xa4: {  	[tilespmem:s6+$0x0] =	vst v25  }
0xa5: {  	[tilespmem:s2+$0xFFFFFFE0] =	vst v20  }
0xa6: {  	[tilespmem:s1+$0xFFFFFFF0] =	vst v28  }
0xa7: {  	v56 =	vnsel vm2, $0xBF800000, v9;
	[tilespmem:s1+$0xFFFFFFE0] =	vst v17  }
0xa8: {  	[tilespmem:s10+$0x10] =	vst v56  }
0xa9: {  	v11 =	vmin.f32 v27, v30;
	[tilespmem:s0+$0xFFFFFFF0] =	vst v21  }
0xaa: {  	v53 =	vmax.f32 v27, v30;
	vm7 =	vgt.f32 v32, $1.333000030e+02;
	v11 =	vmul.f32 $8.000000000e+02, v11;
	[tilespmem:s0+$0xFFFFFFE0] =	vst v14  }
0xab: {  	v54 =	vmul.f32 $1.333000000e+03, v31;
	vm2 =	vgt.f32 v26, $1.333000030e+02;
	vm6 =	vmand vm7, vm6;
	[tilespmem:s23+$0x10] =	vst v10  }
0xac: {  	vm14 =	vlt.u32 v8, v2;
	vm2 =	vmand vm2, vm4;
	vm3 =	vmand vm3, vm6;
	[tilespmem:s2+$0x0] =	vst v11  }
0xad: {  	v23 =	vmul.f32 $8.000000000e+02, v53;
	vm1 =	vmand vm1, vm2;
	v55 =	vnsel vm3, $0xBF800000, v33;
	[tilespmem:s1+$0x0] =	vst v54  }
0xae: {  	v58 =	vmul.f32 v29, v32;
	vm3 =	vgt.f32 v16, $8.000000000e+01;
	v60 =	vnsel vm1, $0xBF800000, v19;
	[tilespmem:s10+$0xFFFFFFF0] =	vst v55  }
0xaf: {  	v59 =	vsub.f32 v54, v25;
	v11 =	vsub.f32 v23, v11;
	vm3 =	vmand vm5, vm3;
	[tilespmem:s10+$0xFFFFFFE0] =	vst v60  }
0xb0: {  	v14 =	vmul.f32 v24, v26;
	[tilespmem:s0+$0x0] =	vst v23;
	vm3 =	vmand vm14, vm3  }
0xb1: {  	vm15 =	vgt.f32 v59, $1.333000030e+02;
	[tilespmem:s23+$0xFFFFFFF0] =	vst v58;
	v57 =	vnsel vm3, $0xBF800000, v18;
	vm3 =	vgt.f32 v11, $8.000000000e+01  }
0xb2: {  	vm1 =	vlt.u32 v5, v2;
	[tilespmem:s23+$0xFFFFFFE0] =	vst v14;
	vm2 =	vmand vm15, vm3  }
0xb3: {  	[tilespmem:s10+$0xFFFFFFD0] =	vst v57;
	vm1 =	vmand vm1, vm2  }
0xb4: {  	v5 =	vmul.f32 v11, v59;
	[tilespmem:s23+$0xFFFFFFD0] =	vst v22;
	v61 =	vnsel vm1, $0xBF800000, v15  }
0xb5: {  	[tilespmem:s10+$0x0] =	vst v61  }
0xb6: {  	[tilespmem:s23+$0x0] =	vst v5  }
0xb7: {  	v5 =	vld [tilespmem:$0xC80];
	_ =	sdelay $0x4  }
0xb8: {  	v5 =	vcvt.s32.f32 v5;
	_ =	sdelay $0x1  }
0xb9: {  	v5 =	vnsel vm0, $0x0, v5  }
0xba: {  	(xrf2) =	vadd.scan.msk.f32 $0xffff, v5;
	_ =	sdelay $0x9  }
0xbb: {  	v5, _, _ =	vpop (xrf2)  }
0xbc: {  	(v2sf) =	vpush v5, $0xF;
	_ =	sdelay $0x2  }
0xbd: {  	[tilespmem:$0xD00] =	vst v3  }
0xbe: {  	[tilespmem:$0xD80] =	vst v3  }
0xbf: {  	[tilespmem:$0xE00] =	vst v3  }
0xc0: {  	[tilespmem:$0xE80] =	vst v3  }
0xc1: {  	[tilespmem:$0xD10] =	vst v3  }
0xc2: {  	[tilespmem:$0xD90] =	vst v3  }
0xc3: {  	[tilespmem:$0xE10] =	vst v3  }
0xc4: {  	[tilespmem:$0xE90] =	vst v3  }
0xc5: {  	s18 =	sadd.s32 $0x10, s9;
	vm1 =	vgt.f32 v57, v13;
	[tilespmem:$0xD20] =	vst v3;
	v5 =	vmax.f32 v13, v57  }
0xc6: {  	s20 =	sadd.s32 $0x20, s9;
	v62 =	vsel vm1, s18, v12;
	[tilespmem:$0xDA0] =	vst v3;
	vm1 =	vgt.f32 v60, v5;
	v5 =	vmax.f32 v5, v60  }
0xc7: {  	s21 =	sadd.s32 $0x30, s9;
	[tilespmem:$0xE20] =	vst v3;
	v9 =	vsel vm1, s20, v62;
	vm1 =	vgt.f32 v55, v5;
	v5 =	vmax.f32 v5, v55  }
0xc8: {  	s23 =	sadd.s32 $0x40, s9;
	[tilespmem:$0xEA0] =	vst v3;
	v9 =	vsel vm1, s21, v9;
	vm1 =	vgt.f32 v61, v5;
	v5 =	vmax.f32 v5, v61  }
0xc9: {  	s25 =	sadd.s32 $0x50, s9;
	[tilespmem:$0xD30] =	vst v3;
	v9 =	vsel vm1, s23, v9;
	vm1 =	vgt.f32 v56, v5;
	v5 =	vmax.f32 v5, v56;
	s24 =	spop (v2sf)  }
0xca: {  	s26 =	sadd.s32 $0x60, s9;
	[tilespmem:$0xDB0] =	vst v3;
	v63 =	vsel vm1, s25, v9;
	vm1 =	vgt.f32 v7, v5;
	v5 =	vmax.f32 v5, v7;
	s1 =	smax.f32 s24, $5.000000000e+00  }
0xcb: {  	s28 =	sadd.s32 $0x70, s9;
	p1 =	por $0x0, $0x0;
	[tilespmem:$0xE30] =	vst v3;
	v7 =	vsel vm1, s26, v63;
	vm1 =	vgt.f32 v6, v5;
	s1 =	smin.f32 s1, $4.900000000e+01  }
0xcc: {  	p2 =	por $0x1, $0x1;
	s0 =	simm.s32 $0x0;
	[tilespmem:$0xEB0] =	vst v3;
	v12 =	vmax.f32 v5, v6;
	v13 =	vsel vm1, s28, v7;
	s2 =	scvt.f32.s32 s1  }
.LBB2_4:
0xcd: {  	(xrf0) =	vmax.scan.msk.f32 $0xffff, v12;
	_ =	sdelay $0x5  }
0xce: {  	v5, _, _ =	vpop (xrf0)  }
0xcf: {  	v6 =	vadd.s32 v13, v1;
	v5 =	vbroadcast v5, $0xF  }
0xd0: {  	v6 =	vcvt.s32.f32 v6  }
0xd1: {  	vm1 =	veq.f32 v12, v5  }
0xd2: {  	v6 =	vnsel vm1, $0x4B800000, v6  }
0xd3: {  	(xrf0) =	vmin.scan.msk.f32 $0xffff, v6;
	_ =	sdelay $0x5  }
0xd4: {  	v6, _, _ =	vpop (xrf0)  }
0xd5: {  	(v2sf) =	vpush v6, $0xF;
	_ =	sdelay $0xe  }
0xd6: {  	s1 =	spop (v2sf)  }
0xd7: {  	s1 =	scvt.f32.s32 s1;
	_ =	sdelay $0x1  }
0xd8: {  	s1 =	ssub.s32 s1, s5  }
0xd9: {  	p3 =	slt.s32 s1, $0x27F  }
0xda: {  	s1 =	simm.s32 @!p3 $0x27F  }
0xdb: {  	s4 =	sand.u32 $0xFFFFFFF0, s1  }
0xdc: {  	v7 =	vld [tilespmem:s4+$0x0]  }
0xdd: {  	v8 =	vld [tilespmem:s4+$0x280]  }
0xde: {  	s1 =	sand.u32 $0xF, s1;
	v9 =	vld [tilespmem:s4+$0x500]  }
0xdf: {  	v10 =	vmov s1;
	v11 =	vld [tilespmem:s4+$0x780]  }
0xe0: {  	vm1 =	veq.s32 v10, v0  }
0xe1: {  	v7 =	vnsel vm1, $0x0, v7  }
0xe2: {  	(xrf2) =	vadd.scan.msk.f32 $0xffff, v7;
	v7 =	vnsel vm1, $0x0, v8  }
0xe3: {  	(xrf2) =	vadd.scan.msk.f32 $0xffff, v7;
	v7 =	vnsel vm1, $0x0, v9  }
0xe4: {  	(xrf2) =	vadd.scan.msk.f32 $0xffff, v7;
	v7 =	vnsel vm1, $0x0, v11  }
0xe5: {  	(xrf2) =	vadd.scan.msk.f32 $0xffff, v7;
	_ =	sdelay $0x5  }
0xe6: {  	v6 =	vbroadcast v6, $0xF  }
0xe7: {  	v7, _, _ =	vpop (xrf2)  }
0xe8: {  	[tilespmem:$0xF80] =	vst v5;
	v8, _, _ =	vpop (xrf2);
	v7 =	vbroadcast v7, $0xF  }
0xe9: {  	[tilespmem:$0xF90] =	vst v6;
	v5, _, _ =	vpop (xrf2);
	v8 =	vbroadcast v8, $0xF  }
0xea: {  	v5 =	vbroadcast v5, $0xF;
	v6, _, _ =	vpop (xrf2);
	[tilespmem:$0xFA0] =	vst v7  }
0xeb: {  	v6 =	vbroadcast v6, $0xF;
	[tilespmem:$0xFB0] =	vst v8  }
0xec: {  	s1 =	simm.s32 $0x700;
	[tilespmem:$0xFC0] =	vst v5  }
0xed: {  	s1 =	simm.s32 @!p1 $0x0;
	v5 =	vpsel !p2, $0x0, v4;
	[tilespmem:$0xFD0] =	vst v6  }
0xee: {  	s26 =	sadd.s32 s1, s19;
	[tilespmem:$0xFE0] =	vst v5  }
0xef: {  	[spmem:s26] =	stream.linear.scatter [tilespmem:s29], [sflag:$0x1], $0x70, $0x38;
	[tilespmem:$0x1A60] =	vst v63  }
0xf0: {  	_ =	swait.ge [sflag:s22], $0x70  }
0xf1: {  	[sflag:s22] =	ssyncset.done $0x0  }
0xf2: {  	[sflag:s22] =	ssyncadd.s32 $0xFFFFFF90  }
0xf3: {  	s1 =	sadd.s32 s1, s3;
	[bflag:$0x0] =	sbarrier.arrive $0xFFFF  }
0xf4: {  	[tilespmem:s30], [sflag:$0x1] =	stream.linear.gather [spmem:s1], $0x700, $0x38;
	[tilespmem:$0x1A60] =	vst v63  }
0xf5: {  	_ =	swait.ge [sflag:s22], $0x700  }
0xf6: {  	[sflag:s22] =	ssyncset.done $0x0  }
0xf7: {  	[sflag:s22] =	ssyncadd.s32 $0xFFFFF900  }
0xf8: {  	v6 =	vld [tilespmem:s11+$0x1000]  }
0xf9: {  	v7 =	vld [tilespmem:s11+$0x1070]  }
0xfa: {  	v8 =	vld [tilespmem:s11+$0x10E0]  }
0xfb: {  	v9 =	vld [tilespmem:s11+$0x1150]  }
0xfc: {  	v10 =	vld [tilespmem:s11+$0x11C0]  }
0xfd: {  	v11 =	vld [tilespmem:s11+$0x1230]  }
0xfe: {  	v12 =	vld [tilespmem:s11+$0x12A0]  }
0xff: {  	v13 =	vld [tilespmem:s11+$0x1310]  }
0x100: {  	v14 =	vld [tilespmem:s11+$0x1010];
	v5 =	vmax.f32 v6, v7  }
0x101: {  	v15 =	vld [tilespmem:s11+$0x1080];
	v5 =	vmax.f32 v5, v8  }
0x102: {  	v16 =	vld [tilespmem:s11+$0x10F0];
	v5 =	vmax.f32 v5, v9  }
0x103: {  	v17 =	vld [tilespmem:s11+$0x1160];
	v5 =	vmax.f32 v5, v10  }
0x104: {  	v18 =	vld [tilespmem:s11+$0x11D0];
	v5 =	vmax.f32 v5, v11  }
0x105: {  	v19 =	vld [tilespmem:s11+$0x1240];
	v5 =	vmax.f32 v5, v12  }
0x106: {  	v20 =	vld [tilespmem:s11+$0x12B0];
	v5 =	vmax.f32 v5, v13  }
0x107: {  	v21 =	vld [tilespmem:s11+$0x1320];
	vm6 =	veq.f32 v6, v5;
	v6 =	vmin.f32 v14, $1.677721600e+07;
	vm7 =	veq.f32 v7, v5  }
0x108: {  	v22 =	vld [tilespmem:s11+$0x12C0];
	vm5 =	veq.f32 v8, v5;
	v6 =	vnsel vm6, $0x4B800000, v6;
	v7 =	vnsel vm7, $0x4B800000, v15  }
0x109: {  	v51 =	vld [tilespmem:s11+$0x1110];
	vm4 =	veq.f32 v9, v5;
	v6 =	vmin.f32 v6, v7;
	v7 =	vnsel vm5, $0x4B800000, v16  }
0x10a: {  	v52 =	vld [tilespmem:s11+$0x11F0];
	vm3 =	veq.f32 v10, v5;
	v6 =	vmin.f32 v6, v7;
	v7 =	vnsel vm4, $0x4B800000, v17  }
0x10b: {  	v8 =	vld [tilespmem:s11+$0x1020];
	vm2 =	veq.f32 v11, v5;
	v6 =	vmin.f32 v6, v7;
	v7 =	vnsel vm3, $0x4B800000, v18  }
0x10c: {  	v53 =	vld [tilespmem:s11+$0x12D0];
	vm1 =	veq.f32 v12, v5;
	v6 =	vmin.f32 v6, v7;
	v7 =	vnsel vm2, $0x4B800000, v19  }
0x10d: {  	v9 =	vld [tilespmem:s11+$0x1090];
	vm9 =	veq.f32 v13, v5;
	v6 =	vmin.f32 v6, v7;
	v7 =	vnsel vm1, $0x4B800000, v20  }
0x10e: {  	v54 =	vld [tilespmem:s11+$0x1040];
	v6 =	vmin.f32 v6, v7;
	v7 =	vnsel vm9, $0x4B800000, v21  }
0x10f: {  	v10 =	vld [tilespmem:s11+$0x1100];
	v6 =	vmin.f32 v6, v7  }
0x110: {  	v55 =	vld [tilespmem:s11+$0x10B0];
	v8 =	vadd.f32 $0.0e+00, v8;
	vm8 =	veq.f32 v14, v6;
	vm10 =	veq.f32 v15, v6  }
0x111: {  	v11 =	vld [tilespmem:s11+$0x1170];
	vm8 =	vmand vm6, vm8;
	vm7 =	vmand vm7, vm10  }
0x112: {  	v56 =	vld [tilespmem:s11+$0x1120];
	vm13 =	veq.f32 v16, v6;
	v8 =	vnsel vm8, $0x0, v8;
	v9 =	vnsel vm7, $0x0, v9  }
0x113: {  	v12 =	vld [tilespmem:s11+$0x11E0];
	vm6 =	vmand vm5, vm13;
	v8 =	vadd.f32 v9, v8  }
0x114: {  	v57 =	vld [tilespmem:s11+$0x1130];
	vm14 =	veq.f32 v17, v6;
	v10 =	vnsel vm6, $0x0, v10  }
0x115: {  	v13 =	vld [tilespmem:s11+$0x1250];
	vm5 =	vmand vm4, vm14;
	v8 =	vadd.f32 v8, v10  }
0x116: {  	v7 =	vld [tilespmem:s11+$0x1330];
	vm15 =	veq.f32 v18, v6;
	v11 =	vnsel vm5, $0x0, v11  }
0x117: {  	v14 =	vld [tilespmem:s11+$0x1030];
	vm4 =	vmand vm3, vm15;
	v8 =	vadd.f32 v8, v11  }
0x118: {  	v15 =	vld [tilespmem:s11+$0x10A0];
	vm3 =	veq.f32 v19, v6;
	v12 =	vnsel vm4, $0x0, v12  }
0x119: {  	vm2 =	vmand vm2, vm3;
	v8 =	vadd.f32 v8, v12;
	v12 =	vld [tilespmem:s11+$0x1050]  }
0x11a: {  	v58 =	vld [tilespmem:s11+$0x1190];
	vm3 =	veq.f32 v20, v6;
	v13 =	vnsel vm2, $0x0, v13  }
0x11b: {  	vm3 =	vmand vm1, vm3;
	vm1 =	veq.f32 v21, v6;
	v6 =	vadd.f32 v8, v13;
	v8 =	vld [tilespmem:s11+$0x10C0]  }
0x11c: {  	v59 =	vld [tilespmem:s11+$0x1200];
	vm1 =	vmand vm9, vm1;
	v14 =	vadd.f32 $0.0e+00, v14;
	v13 =	vnsel vm3, $0x0, v22  }
0x11d: {  	v61 =	vld [tilespmem:s11+$0x1270];
	v7 =	vnsel vm1, $0x0, v7;
	v6 =	vadd.f32 v6, v13;
	v13 =	vadd.f32 $0.0e+00, v54  }
0x11e: {  	v9 =	vld [tilespmem:s11+$0x1180];
	v15 =	vnsel vm7, $0x0, v15;
	v14 =	vnsel vm8, $0x0, v14;
	v12 =	vadd.f32 $0.0e+00, v12  }
0x11f: {  	v6 =	vadd.f32 v6, v7;
	v7 =	vadd.f32 v15, v14;
	v13 =	vnsel vm8, $0x0, v13;
	v14 =	vld [tilespmem:s11+$0x11A0]  }
0x120: {  	v62 =	vld [tilespmem:s11+$0x12E0];
	v15 =	vnsel vm7, $0x0, v55;
	v12 =	vnsel vm8, $0x0, v12;
	v8 =	vnsel vm7, $0x0, v8  }
0x121: {  	v13 =	vadd.f32 v15, v13;
	v15 =	vnsel vm6, $0x0, v51;
	v8 =	vadd.f32 v8, v12;
	v12 =	vld [tilespmem:s11+$0x1210]  }
0x122: {  	v60 =	vnsel vm6, $0x0, v57;
	v10 =	vld [tilespmem:s11+$0x1260];
	v7 =	vadd.f32 v15, v7;
	v15 =	vnsel vm6, $0x0, v56  }
0x123: {  	v9 =	vnsel vm5, $0x0, v9;
	v13 =	vadd.f32 v15, v13;
	v15 =	vld [tilespmem:s11+$0x1280];
	v8 =	vadd.f32 v60, v8  }
0x124: {  	v63 =	vld [tilespmem:s11+$0x1350];
	v7 =	vadd.f32 v9, v7;
	v9 =	vnsel vm5, $0x0, v58;
	v14 =	vnsel vm5, $0x0, v14  }
0x125: {  	v9 =	vadd.f32 v9, v13;
	v13 =	vnsel vm4, $0x0, v52;
	v8 =	vadd.f32 v14, v8;
	v14 =	vld [tilespmem:s11+$0x12F0]  }
0x126: {  	v11 =	vld [tilespmem:s11+$0x1340];
	v7 =	vadd.f32 v13, v7;
	v13 =	vnsel vm4, $0x0, v59;
	v12 =	vnsel vm4, $0x0, v12  }
0x127: {  	v10 =	vnsel vm2, $0x0, v10;
	v9 =	vadd.f32 v13, v9;
	v8 =	vadd.f32 v12, v8;
	v12 =	vld [tilespmem:s11+$0x1360]  }
0x128: {  	v7 =	vadd.f32 v10, v7;
	v10 =	vnsel vm2, $0x0, v61;
	v13 =	vnsel vm2, $0x0, v15  }
0x129: {  	v15 =	vnsel vm3, $0x0, v53;
	v9 =	vadd.f32 v10, v9;
	v8 =	vadd.f32 v13, v8  }
0x12a: {  	v10 =	vnsel vm3, $0x0, v62;
	v7 =	vadd.f32 v15, v7;
	v13 =	vnsel vm3, $0x0, v14  }
0x12b: {  	v11 =	vnsel vm1, $0x0, v11;
	v9 =	vadd.f32 v10, v9;
	v8 =	vadd.f32 v13, v8  }
0x12c: {  	v10 =	vnsel vm1, $0x0, v63;
	v7 =	vadd.f32 v11, v7;
	v11 =	vnsel vm1, $0x0, v12  }
0x12d: {  	v9 =	vadd.f32 v10, v9;
	v8 =	vadd.f32 v11, v8  }
0x12e: {  	s23 =	simm.s32 $0x100  }
0x12f: {  	s24 =	simm.s32 $0xAA0;
	s25 =	simm.s32 $0x17A0;
	s28 =	simm.s32 $0x5A0;
	v10 =	vsub.f32 v9, v6;
	v11 =	vsub.f32 v8, v7  }
0x130: {  	s6 =	simm.s32 $0x320;
	s7 =	simm.s32 $0xA0;
	s8 =	simm.s32 $0x0  }
0x131: {  	s9 =	simm.s32 $0x0;
	s26 =	simm.s32 $0x820;
	s1 =	simm.s32 $0x80;
	v13 =	vimm.s32 $0x0;
	v12 =	vimm.f32 $-2.000000000e+00;
	v10 =	vmul.f32 v11, v10  }
.LBB2_5:
0x132: {  	v11 =	vld [tilespmem:s7+$0xFFFFFF60]  }
0x133: {  	v14 =	vld [tilespmem:s6+$0xFFFFFF60]  }
0x134: {  	v15 =	vld [tilespmem:s28+$0xFFFFFF60]  }
0x135: {  	v16 =	vld [tilespmem:s26+$0xFFFFFF60]  }
0x136: {  	v17 =	vld [tilespmem:s25+$0xFFFFFF60]  }
0x137: {  	v18 =	vld [tilespmem:s7+$0xFFFFFF70]  }
0x138: {  	v19 =	vld [tilespmem:s6+$0xFFFFFF70]  }
0x139: {  	v20 =	vld [tilespmem:s28+$0xFFFFFF70]  }
0x13a: {  	v21 =	vld [tilespmem:s26+$0xFFFFFF70]  }
0x13b: {  	v49 =	vld [tilespmem:s25+$0xFFFFFF70]  }
0x13c: {  	v55 =	vld [tilespmem:s7+$0xFFFFFF80]  }
0x13d: {  	v56 =	vld [tilespmem:s6+$0xFFFFFF80]  }
0x13e: {  	v57 =	vld [tilespmem:s28+$0xFFFFFF80]  }
0x13f: {  	v58 =	vld [tilespmem:s26+$0xFFFFFF80]  }
0x140: {  	v59 =	vld [tilespmem:s25+$0xFFFFFF80]  }
0x141: {  	v62 =	vld [tilespmem:s7+$0xFFFFFF90]  }
0x142: {  	v31 =	vld [tilespmem:s28+$0xFFFFFF90]  }
0x143: {  	v23 =	vld [tilespmem:s26+$0xFFFFFF90];
	v11 =	vmax.f32 v6, v11  }
0x144: {  	v25 =	vld [tilespmem:s7+$0xFFFFFFA0];
	v15 =	vmin.f32 v9, v15;
	v14 =	vmax.f32 v7, v14;
	v16 =	vmin.f32 v8, v16  }
0x145: {  	v26 =	vld [tilespmem:s28+$0xFFFFFFA0];
	v11 =	vsub.f32 v15, v11;
	v14 =	vsub.f32 v16, v14  }
0x146: {  	v34 =	vld [tilespmem:s25+$0xFFFFFF90];
	v50 =	vmax.f32 v6, v18;
	v51 =	vmax.f32 v7, v19  }
0x147: {  	v36 =	vld [tilespmem:s25+$0xFFFFFFA0];
	v52 =	vmin.f32 v9, v20;
	v11 =	vmax.f32 v11, $0.0e+00;
	v14 =	vmax.f32 v14, $0.0e+00  }
0x148: {  	v38 =	vld [tilespmem:s7+$0xFFFFFFB0];
	v53 =	vmin.f32 v8, v21;
	v15 =	vadd.f32 v17, v10;
	v11 =	vmul.f32 v14, v11  }
0x149: {  	v40 =	vld [tilespmem:s6+$0xFFFFFFB0];
	v18 =	vmax.f32 v6, v55;
	v54 =	vsub.f32 v53, v51;
	v14 =	vsub.f32 v52, v50  }
0x14a: {  	v43 =	vld [tilespmem:s26+$0xFFFFFFB0];
	v19 =	vmax.f32 v7, v56;
	v20 =	vmin.f32 v9, v57;
	v15 =	vsub.f32 v15, v11  }
0x14b: {  	v44 =	vld [tilespmem:s25+$0xFFFFFFB0];
	v35 =	vmin.f32 v8, v23;
	v17 =	vmax.f32 v54, $0.0e+00;
	v14 =	vmax.f32 v14, $0.0e+00  }
0x14c: {  	v29 =	vld [tilespmem:s28+$0xFFFFFFC0];
	s17 =	sand.u32 $0x3FFFFF80, s1;
	s13 =	sshra.s32 s8, $0x2;
	v16 =	vadd.f32 v49, v10;
	v14 =	vmul.f32 v17, v14;
	v15 =	vadd.f32 $9.999999710e-10, v15  }
0x14d: {  	s10 =	sadd.s32 s13, s17;
	v39 =	vmin.f32 v9, v26;
	v42 =	vadd.f32 v34, v10;
	v46 =	vadd.f32 v36, v10;
	v55 =	vld [tilespmem:s28+$0xFFFFFFD0]  }
0x14e: {  	v26 =	vmax.f32 v7, v40;
	v36 =	vld [tilespmem:s10+$0x0];
	v16 =	vsub.f32 v16, v14;
	(erf) = vrcp.f32 v15  }
0x14f: {  	v21 =	vmin.f32 v8, v43;
	v34 =	vld [tilespmem:s6+$0x0];
	v18 =	vsub.f32 v20, v18;
	v17 =	vmin.f32 v8, v58  }
0x150: {  	v20 =	vmin.f32 v9, v31;
	v31 =	vld [tilespmem:s10+$0x280];
	v17 =	vsub.f32 v17, v19;
	v15 =	vadd.f32 $9.999999710e-10, v16  }
0x151: {  	v30 =	vld [tilespmem:s26+$0xFFFFFFC0];
	v37 =	vmax.f32 v6, v25;
	v23 =	vmax.f32 v6, v38;
	v21 =	vsub.f32 v21, v26  }
0x152: {  	v47 =	vld [tilespmem:s7+$0xFFFFFFC0];
	v17 =	vmax.f32 v17, $0.0e+00;
	(erf) = vrcp.f32 v15;
	v15 =	vmax.f32 v18, $0.0e+00  }
0x153: {  	v32 =	vld [tilespmem:s6+$0xFFFFFFA0];
	v54 =	vmax.f32 v21, $0.0e+00;
	v16 =	vadd.f32 v59, v10;
	v15 =	vmul.f32 v17, v15  }
0x154: {  	v33 =	vld [tilespmem:s26+$0xFFFFFFA0];
	v21 =	vmin.f32 v9, v55;
	v25 =	vmax.f32 v6, v36;
	v34 =	vmax.f32 v7, v34  }
0x155: {  	v41 =	vld [tilespmem:s28+$0xFFFFFFB0];
	v31 =	vmax.f32 v7, v31;
	v58 =	vadd.f32 v44, v10;
	v16 =	vsub.f32 v16, v15  }
0x156: {  	v60 =	vld [tilespmem:s24+$0xFFFFFF60];
	v59 =	vmin.f32 v9, v29;
	v18 =	vmax.f32 v6, v62;
	v62 =	vmin.f32 v8, v30  }
0x157: {  	v50 =	vld [tilespmem:s7+$0xFFFFFFD0];
	v18 =	vsub.f32 v20, v18;
	v20 =	vmax.f32 v6, v47;
	v16 =	vadd.f32 $9.999999710e-10, v16;
	v24 =	vpop (erf)  }
0x158: {  	v63 =	vld [tilespmem:s6+$0xFFFFFF90];
	v17 =	vsub.f32 v39, v37;
	v20 =	vsub.f32 v59, v20;
	v11 =	vmul.f32 v24, v11  }
0x159: {  	v37 =	vld [tilespmem:s10+$0x500];
	(erf) = vrcp.f32 v16;
	v24 =	vmax.f32 v7, v32;
	v16 =	vmin.f32 v8, v33  }
0x15a: {  	v18 =	vmax.f32 v18, $0.0e+00;
	v16 =	vsub.f32 v16, v24;
	v24 =	vmin.f32 v9, v41  }
0x15b: {  	v22 =	vld [tilespmem:s24+$0xFFFFFF70];
	v17 =	vmax.f32 v17, $0.0e+00;
	vm1 =	vgt.f32 v11, $6.999999880e-01;
	v49 =	vsub.f32 v24, v23  }
0x15c: {  	v61 =	vld [tilespmem:s24+$0xFFFFFF80];
	v23 =	vmax.f32 v6, v50;
	v11 =	vsel vm1, $0xBF800000, v60;
	v16 =	vmax.f32 v16, $0.0e+00  }
0x15d: {  	v50 =	vld [tilespmem:s26+$0xFFFFFFF0];
	v21 =	vsub.f32 v21, v23;
	vm1 =	vgt.f32 v11, v12;
	v27 =	vmax.f32 v12, v11;
	v12 =	vpop (erf)  }
0x15e: {  	v48 =	vld [tilespmem:s6+$0xFFFFFFC0];
	v23 =	vmin.f32 v9, v37;
	v12 =	vmul.f32 v12, v14;
	v14 =	vmax.f32 v7, v63  }
0x15f: {  	v60 =	vld [tilespmem:s25+$0xFFFFFFC0];
	v16 =	vmul.f32 v16, v17;
	v23 =	vsub.f32 v23, v25;
	v14 =	vsub.f32 v35, v14  }
0x160: {  	v43 =	vld [tilespmem:s10+$0x1700];
	v20 =	vmax.f32 v20, $0.0e+00;
	v13 =	vsel vm1, s9, v13;
	v21 =	vmax.f32 v21, $0.0e+00  }
0x161: {  	v37 =	vld [tilespmem:s28+$0x20];
	v17 =	vsub.f32 v46, v16;
	v47 =	vmax.f32 v23, $0.0e+00;
	v14 =	vmax.f32 v14, $0.0e+00  }
0x162: {  	v53 =	vld [tilespmem:s6+$0xFFFFFFD0];
	vm2 =	vgt.f32 v12, $6.999999880e-01;
	v23 =	vmin.f32 v8, v50;
	v14 =	vmul.f32 v14, v18;
	v45 =	vpop (erf)  }
0x163: {  	v55 =	vld [tilespmem:s25+$0x0];
	v12 =	vsel vm2, $0xBF800000, v22;
	v17 =	vadd.f32 $9.999999710e-10, v17;
	v15 =	vmul.f32 v45, v15  }
0x164: {  	s4 =	sadd.s32 $0x10, s9;
	v35 =	vld [tilespmem:s26+$0x0];
	v38 =	vadd.f32 v60, v10;
	vm1 =	vgt.f32 v12, v27;
	v18 =	vsub.f32 v42, v14  }
0x165: {  	v39 =	vld [tilespmem:s10+$0x780];
	v52 =	vsel vm1, s4, v13;
	vm1 =	vgt.f32 v15, $6.999999880e-01;
	v15 =	vmax.f32 v49, $0.0e+00  }
0x166: {  	v37 =	vmin.f32 v9, v37;
	v18 =	vadd.f32 $9.999999710e-10, v18;
	v56 =	vmul.f32 v54, v15;
	v15 =	vld [tilespmem:s26+$0xFFFFFFD0]  }
0x167: {  	v51 =	vmax.f32 v27, v12;
	v49 =	vld [tilespmem:s28+$0xFFFFFFF0];
	v13 =	vsel vm1, $0xBF800000, v61;
	v61 =	vmax.f32 v7, v48  }
0x168: {  	v63 =	vld [tilespmem:s25+$0xFFFFFFD0];
	v27 =	vmax.f32 v7, v53;
	v22 =	vsub.f32 v62, v61;
	(erf) = vrcp.f32 v18  }
0x169: {  	v45 =	vld [tilespmem:s7+$0xFFFFFFF0];
	v35 =	vmin.f32 v8, v35;
	v19 =	vsub.f32 v58, v56;
	(erf) = vrcp.f32 v17  }
0x16a: {  	v60 =	vld [tilespmem:s28+$0x10];
	vm1 =	vgt.f32 v13, v51;
	v24 =	vmax.f32 v51, v13;
	v22 =	vmax.f32 v22, $0.0e+00  }
0x16b: {  	s18 =	sadd.s32 $0x20, s9;
	v51 =	vld [tilespmem:s25+$0xFFFFFFF0];
	v20 =	vmul.f32 v22, v20;
	v19 =	vadd.f32 $9.999999710e-10, v19;
	v15 =	vmin.f32 v8, v15  }
0x16c: {  	v54 =	vld [tilespmem:s28+$0x0];
	v26 =	vsel vm1, s18, v52;
	v25 =	vmin.f32 v9, v49;
	v15 =	vsub.f32 v15, v27  }
0x16d: {  	v22 =	vsub.f32 v38, v20;
	(erf) = vrcp.f32 v19;
	v27 =	vmin.f32 v8, v39;
	v39 =	vld [tilespmem:s6+$0x40]  }
0x16e: {  	v52 =	vld [tilespmem:s7+$0x0];
	v44 =	vsub.f32 v27, v31;
	v27 =	vmax.f32 v6, v45;
	v15 =	vmax.f32 v15, $0.0e+00  }
0x16f: {  	v62 =	vld [tilespmem:s25+$0x10];
	v25 =	vsub.f32 v25, v27;
	v21 =	vmul.f32 v15, v21;
	v15 =	vadd.f32 v63, v10  }
0x170: {  	v29 =	vmin.f32 v9, v60;
	v59 =	vadd.f32 v51, v10;
	v27 =	vadd.f32 v55, v10;
	v63 =	vld [tilespmem:s7+$0x20]  }
0x171: {  	v48 =	vmax.f32 v44, $0.0e+00;
	v44 =	vld [tilespmem:s26+$0x20];
	v25 =	vmax.f32 v25, $0.0e+00;
	v32 =	vpop (erf);
	v15 =	vsub.f32 v15, v21  }
0x172: {  	v28 =	vld [tilespmem:s24+$0xFFFFFF90];
	v39 =	vmax.f32 v7, v39;
	v14 =	vmul.f32 v32, v14;
	v41 =	vpop (erf);
	v32 =	vmin.f32 v9, v54  }
0x173: {  	v46 =	vld [tilespmem:s6+$0xFFFFFFF0];
	v16 =	vmul.f32 v41, v16;
	v15 =	vadd.f32 $9.999999710e-10, v15;
	v41 =	vmax.f32 v6, v52  }
0x174: {  	v52 =	vadd.f32 v62, v10;
	vm2 =	vgt.f32 v14, $6.999999880e-01;
	v14 =	vadd.f32 $9.999999710e-10, v22  }
0x175: {  	v57 =	vld [tilespmem:s24+$0xFFFFFFA0];
	v22 =	vadd.f32 v43, v10;
	v43 =	vsub.f32 v35, v34;
	v55 =	vmax.f32 v6, v63  }
0x176: {  	v34 =	vmin.f32 v8, v44;
	vm1 =	vgt.f32 v16, $6.999999880e-01;
	v16 =	vmul.f32 v48, v47;
	v53 =	vpop (erf)  }
0x177: {  	v40 =	vld [tilespmem:s24+$0xFFFFFFB0];
	(erf) = vrcp.f32 v14;
	v14 =	vsel vm2, $0xBF800000, v28;
	v17 =	vmul.f32 v53, v56  }
0x178: {  	v33 =	vld [tilespmem:s24+$0xFFFFFFC0];
	v28 =	vmax.f32 v7, v46;
	v48 =	vmax.f32 v43, $0.0e+00;
	(erf) = vrcp.f32 v15  }
0x179: {  	s20 =	sadd.s32 $0x30, s9;
	v56 =	vld [tilespmem:s7+$0x10];
	vm2 =	vgt.f32 v14, v24;
	v22 =	vsub.f32 v22, v16;
	v23 =	vsub.f32 v23, v28  }
0x17a: {  	v49 =	vld [tilespmem:s6+$0x30];
	v24 =	vmax.f32 v24, v14;
	v15 =	vsel vm1, $0xBF800000, v57;
	v26 =	vsel vm2, s20, v26  }
0x17b: {  	s21 =	sadd.s32 $0x40, s9;
	v57 =	vld [tilespmem:s6+$0x10];
	vm1 =	vgt.f32 v15, v24;
	v22 =	vadd.f32 $9.999999710e-10, v22;
	v23 =	vmax.f32 v23, $0.0e+00  }
0x17c: {  	v44 =	vld [tilespmem:s6+$0x50];
	v26 =	vsel vm1, s21, v26;
	vm1 =	vgt.f32 v17, $6.999999880e-01;
	v23 =	vmul.f32 v23, v25  }
0x17d: {  	v51 =	vld [tilespmem:s28+$0x30];
	v24 =	vmax.f32 v24, v15;
	v17 =	vsel vm1, $0xBF800000, v40;
	(erf) = vrcp.f32 v22  }
0x17e: {  	s14 =	sadd.s32 $0x50, s9;
	vm1 =	vgt.f32 v17, v24;
	v22 =	vmax.f32 v6, v56;
	v56 =	vld [tilespmem:s7+$0x40];
	v25 =	vsub.f32 v59, v23  }
0x17f: {  	v24 =	vmax.f32 v24, v17;
	v26 =	vsel vm1, s14, v26;
	v22 =	vsub.f32 v29, v22;
	v59 =	vld [tilespmem:s26+$0x40]  }
0x180: {  	v61 =	vld [tilespmem:s26+$0x10];
	v28 =	vmax.f32 v7, v57;
	v40 =	vadd.f32 $9.999999710e-10, v25;
	v25 =	vsub.f32 v32, v41  }
0x181: {  	v46 =	vld [tilespmem:s7+$0x30];
	v57 =	vsub.f32 v37, v55;
	v29 =	vmax.f32 v7, v49;
	v37 =	vmax.f32 v7, v44;
	v36 =	vpop (erf)  }
0x182: {  	v53 =	vld [tilespmem:s26+$0x30];
	v50 =	vmax.f32 v22, $0.0e+00;
	v20 =	vmul.f32 v36, v20;
	v47 =	vmax.f32 v25, $0.0e+00  }
0x183: {  	v22 =	vmin.f32 v9, v51;
	v58 =	vpop (erf);
	(erf) = vrcp.f32 v40;
	v25 =	vmul.f32 v48, v47  }
0x184: {  	v30 =	vld [tilespmem:s10+$0xA00];
	v47 =	vmax.f32 v6, v56;
	v35 =	vmin.f32 v8, v59;
	vm2 =	vgt.f32 v20, $6.999999880e-01  }
0x185: {  	v42 =	vld [tilespmem:s24+$0xFFFFFFD0];
	v20 =	vmul.f32 v58, v21;
	v21 =	vmin.f32 v8, v61;
	v61 =	vmax.f32 v57, $0.0e+00  }
0x186: {  	v38 =	vld [tilespmem:s25+$0x20];
	v35 =	vsub.f32 v35, v39;
	v18 =	vsel vm2, $0xBF800000, v33;
	v21 =	vsub.f32 v21, v28  }
0x187: {  	v48 =	vld [tilespmem:s25+$0x50];
	v27 =	vsub.f32 v27, v25;
	v28 =	vmax.f32 v6, v46;
	v33 =	vmin.f32 v8, v53  }
0x188: {  	s15 =	sadd.s32 $0x60, s9;
	v54 =	vld [tilespmem:s25+$0x30];
	vm1 =	vgt.f32 v18, v24;
	v24 =	vmax.f32 v24, v18;
	v22 =	vsub.f32 v22, v28  }
0x189: {  	v63 =	vld [tilespmem:s25+$0x40];
	v45 =	vpop (erf);
	v29 =	vsub.f32 v33, v29;
	v35 =	vmax.f32 v35, $0.0e+00;
	v26 =	vsel vm1, s15, v26  }
0x18a: {  	s18 =	sand.u32 $0x3FFFFF80, s23;
	v43 =	vld [tilespmem:s7+$0x50];
	vm1 =	vgt.f32 v20, $6.999999880e-01;
	v16 =	vmul.f32 v45, v16;
	v21 =	vmax.f32 v21, $0.0e+00  }
0x18b: {  	s13 =	sadd.s32 s13, s18;
	v46 =	vld [tilespmem:s26+$0x50];
	v27 =	vadd.f32 $9.999999710e-10, v27;
	v19 =	vsel vm1, $0xBF800000, v42;
	v32 =	vmul.f32 v21, v50  }
0x18c: {  	v53 =	vld [tilespmem:s13+$0x780];
	v22 =	vmax.f32 v22, $0.0e+00;
	v29 =	vmax.f32 v29, $0.0e+00;
	v59 =	vadd.f32 v48, v10  }
0x18d: {  	v45 =	vld [tilespmem:s28+$0x50];
	vm1 =	vgt.f32 v19, v24;
	v20 =	vmax.f32 v24, v19;
	vm2 =	vgt.f32 v16, $6.999999880e-01  }
0x18e: {  	s16 =	sadd.s32 $0x70, s9;
	v42 =	vld [tilespmem:s6+$0x20];
	(erf) = vrcp.f32 v27;
	v22 =	vmul.f32 v29, v22;
	v24 =	vadd.f32 v54, v10  }
0x18f: {  	v50 =	vld [tilespmem:s13+$0x280];
	v21 =	vsub.f32 v52, v32;
	v16 =	vsel vm2, $0xBF800000, v30;
	v26 =	vsel vm1, s16, v26  }
0x190: {  	v58 =	vld [tilespmem:s28+$0x40];
	v30 =	vmax.f32 v6, v43;
	v28 =	vmin.f32 v8, v46;
	vm1 =	vgt.f32 v16, v20  }
0x191: {  	s17 =	sadd.s32 $0x80, s9;
	v49 =	vld [tilespmem:s13+$0x0];
	v40 =	vpop (erf);
	v28 =	vsub.f32 v28, v37;
	v24 =	vsub.f32 v24, v22;
	v20 =	vmax.f32 v20, v16  }
0x192: {  	v44 =	vld [tilespmem:s6+$0x80];
	v60 =	vadd.f32 $9.999999710e-10, v21;
	v26 =	vsel vm1, s17, v26;
	v23 =	vmul.f32 v40, v23  }
0x193: {  	v48 =	vld [tilespmem:s7+$0x90];
	v40 =	vmin.f32 v8, v53;
	v31 =	vmax.f32 v7, v42;
	v42 =	vadd.f32 v38, v10  }
0x194: {  	v54 =	vld [tilespmem:s7+$0x70];
	v38 =	vmin.f32 v9, v45;
	v28 =	vmax.f32 v28, $0.0e+00;
	v39 =	vmax.f32 v7, v50  }
0x195: {  	v52 =	vld [tilespmem:s13+$0x500];
	v31 =	vsub.f32 v34, v31;
	(erf) = vrcp.f32 v60;
	v34 =	vmin.f32 v9, v58  }
0x196: {  	v45 =	vld [tilespmem:s28+$0x80];
	v30 =	vsub.f32 v38, v30;
	vm1 =	vgt.f32 v23, $6.999999880e-01;
	v39 =	vsub.f32 v40, v39  }
0x197: {  	v58 =	vld [tilespmem:s28+$0x70];
	v33 =	vsub.f32 v34, v47;
	v34 =	vmax.f32 v6, v49;
	v62 =	vmax.f32 v31, $0.0e+00  }
0x198: {  	v60 =	vld [tilespmem:s26+$0x70];
	v31 =	vadd.f32 v63, v10;
	v30 =	vmax.f32 v30, $0.0e+00;
	v50 =	vmax.f32 v39, $0.0e+00  }
0x199: {  	v41 =	vld [tilespmem:s13+$0x1700];
	v21 =	vmul.f32 v62, v61;
	v51 =	vmax.f32 v33, $0.0e+00;
	v28 =	vmul.f32 v28, v30  }
0x19a: {  	v47 =	vld [tilespmem:s26+$0x80];
	v61 =	vadd.f32 $9.999999710e-10, v24;
	v33 =	vmin.f32 v9, v52;
	v52 =	vmax.f32 v6, v54  }
0x19b: {  	v56 =	vld [tilespmem:s6+$0x70];
	v24 =	vmax.f32 v6, v48;
	v29 =	vmul.f32 v35, v51;
	v57 =	vpop (erf);
	v33 =	vsub.f32 v33, v34  }
0x19c: {  	v63 =	vld [tilespmem:s7+$0x80];
	v34 =	vmin.f32 v9, v45;
	v27 =	vsub.f32 v42, v21;
	v25 =	vmul.f32 v57, v25  }
0x19d: {  	v54 =	vld [tilespmem:s28+$0x90];
	v30 =	vsub.f32 v59, v28;
	v53 =	vmin.f32 v9, v58;
	v36 =	vmin.f32 v8, v60  }
0x19e: {  	v59 =	vadd.f32 v41, v10;
	v31 =	vsub.f32 v31, v29;
	v49 =	vmax.f32 v33, $0.0e+00  }
0x19f: {  	v51 =	vld [tilespmem:s6+$0x90];
	v57 =	vmin.f32 v8, v47;
	v55 =	vadd.f32 $9.999999710e-10, v27;
	v30 =	vadd.f32 $9.999999710e-10, v30  }
0x1a0: {  	v58 =	vld [tilespmem:s24+$0xFFFFFFF0];
	vm2 =	vgt.f32 v25, $6.999999880e-01;
	v25 =	vmul.f32 v50, v49;
	v27 =	vmax.f32 v7, v56  }
0x1a1: {  	v60 =	vld [tilespmem:s25+$0x70];
	v56 =	vmax.f32 v7, v44;
	v62 =	vadd.f32 $9.999999710e-10, v31;
	v27 =	vsub.f32 v36, v27  }
0x1a2: {  	v41 =	vld [tilespmem:s24+$0x0];
	v31 =	vmax.f32 v6, v63;
	v36 =	vsub.f32 v57, v56;
	v35 =	vmin.f32 v9, v54  }
0x1a3: {  	(erf) = vrcp.f32 v55;
	v46 =	vpop (erf);
	v55 =	vld [tilespmem:s26+$0x90];
	v31 =	vsub.f32 v34, v31;
	v24 =	vsub.f32 v35, v24  }
0x1a4: {  	v40 =	vsub.f32 v59, v25;
	(erf) = vrcp.f32 v61;
	v23 =	vmul.f32 v46, v32  }
0x1a5: {  	v27 =	vmax.f32 v27, $0.0e+00;
	v32 =	vmax.f32 v7, v51;
	v36 =	vmax.f32 v36, $0.0e+00  }
0x1a6: {  	v61 =	vld [tilespmem:s25+$0x80];
	v34 =	vsel vm1, $0xBF800000, v58;
	v42 =	vadd.f32 v60, v10;
	(erf) = vrcp.f32 v62  }
0x1a7: {  	[tilespmem:s24+$0xFFFFFF60] =	vst v11;
	v11 =	vsel vm2, $0xBF800000, v41;
	v62 =	vld [tilespmem:s25+$0x90];
	(erf) = vrcp.f32 v30;
	v30 =	vsub.f32 v53, v52  }
0x1a8: {  	v31 =	vmax.f32 v31, $0.0e+00;
	v24 =	vmax.f32 v24, $0.0e+00;
	v33 =	vmin.f32 v8, v55  }
0x1a9: {  	vm1 =	vgt.f32 v34, v20;
	v30 =	vmax.f32 v30, $0.0e+00;
	v32 =	vsub.f32 v33, v32  }
0x1aa: {  	v20 =	vmax.f32 v20, v34;
	v63 =	vmul.f32 v36, v31;
	v27 =	vmul.f32 v27, v30  }
0x1ab: {  	v31 =	vadd.f32 $9.999999710e-10, v40;
	v35 =	vadd.f32 v61, v10;
	v32 =	vmax.f32 v32, $0.0e+00  }
0x1ac: {  	s20 =	sadd.s32 $0x90, s9;
	v33 =	vadd.f32 v62, v10;
	v36 =	vsub.f32 v42, v27;
	v24 =	vmul.f32 v32, v24  }
0x1ad: {  	v43 =	vld [tilespmem:s24+$0x10];
	v26 =	vsel vm1, s20, v26;
	vm1 =	vgt.f32 v23, $6.999999880e-01;
	v35 =	vsub.f32 v35, v63  }
0x1ae: {  	v45 =	vld [tilespmem:s24+$0x20];
	(erf) = vrcp.f32 v31;
	v36 =	vadd.f32 $9.999999710e-10, v36;
	v33 =	vsub.f32 v33, v24  }
0x1af: {  	[tilespmem:s24+$0xFFFFFF90] =	vst v14;
	vm2 =	vgt.f32 v11, v20;
	v14 =	vmax.f32 v20, v11;
	v44 =	vpop (erf);
	v46 =	vadd.f32 $9.999999710e-10, v35  }
0x1b0: {  	[tilespmem:s24+$0xFFFFFF70] =	vst v12;
	s21 =	sadd.s32 $0xA0, s9;
	v47 =	vld [tilespmem:s24+$0x30];
	v21 =	vmul.f32 v44, v21;
	v12 =	vpop (erf);
	(erf) = vrcp.f32 v36;
	v33 =	vadd.f32 $9.999999710e-10, v33  }
0x1b1: {  	[tilespmem:s24+$0xFFFFFF80] =	vst v13;
	v13 =	vsel vm2, s21, v26;
	v12 =	vmul.f32 v12, v22;
	(erf) = vrcp.f32 v46  }
0x1b2: {  	[tilespmem:s24+$0xFFFFFFA0] =	vst v15;
	v15 =	vsel vm1, $0xBF800000, v43;
	vm2 =	vgt.f32 v21, $6.999999880e-01;
	(erf) = vrcp.f32 v33  }
0x1b3: {  	s14 =	sadd.s32 $0xB0, s9;
	v48 =	vpop (erf);
	v21 =	vsel vm2, $0xBF800000, v45;
	vm1 =	vgt.f32 v12, $6.999999880e-01;
	v12 =	vld [tilespmem:s24+$0x40];
	vm2 =	vgt.f32 v15, v14  }
0x1b4: {  	v51 =	vld [tilespmem:s24+$0x50];
	v50 =	vmul.f32 v48, v29;
	v14 =	vmax.f32 v14, v15;
	v13 =	vsel vm2, s14, v13  }
0x1b5: {  	[tilespmem:s24+$0xFFFFFFB0] =	vst v17;
	s15 =	sadd.s32 $0xC0, s9;
	v49 =	vpop (erf);
	vm2 =	vgt.f32 v21, v14;
	v54 =	vsel vm1, $0xBF800000, v47;
	v14 =	vmax.f32 v14, v21  }
0x1b6: {  	[tilespmem:s24+$0xFFFFFFC0] =	vst v18;
	s16 =	sadd.s32 $0xD0, s9;
	v52 =	vmul.f32 v49, v28;
	v13 =	vsel vm2, s15, v13;
	vm1 =	vgt.f32 v54, v14  }
0x1b7: {  	v56 =	vld [tilespmem:s13+$0xA00];
	[tilespmem:s24+$0x0] =	vst v11;
	v53 =	vpop (erf);
	v14 =	vmax.f32 v14, v54;
	v11 =	vsel vm1, s16, v13;
	vm1 =	vgt.f32 v50, $6.999999880e-01  }
0x1b8: {  	[tilespmem:s24+$0xFFFFFFD0] =	vst v19;
	v58 =	vld [tilespmem:s24+$0x80];
	v55 =	vmul.f32 v53, v25;
	vm2 =	vgt.f32 v52, $6.999999880e-01;
	v12 =	vsel vm1, $0xBF800000, v12  }
0x1b9: {  	s17 =	sadd.s32 $0xE0, s9;
	[tilespmem:s24+$0x10] =	vst v15;
	v13 =	vld [tilespmem:s24+$0x70];
	v15 =	vsel vm2, $0xBF800000, v51;
	vm2 =	vgt.f32 v12, v14;
	v57 =	vpop (erf)  }
0x1ba: {  	[tilespmem:s10+$0xA00] =	vst v16;
	v60 =	vld [tilespmem:s24+$0x90];
	vm1 =	vgt.f32 v55, $6.999999880e-01;
	v14 =	vmax.f32 v14, v12;
	v11 =	vsel vm2, s17, v11;
	v59 =	vpop (erf)  }
0x1bb: {  	s18 =	sadd.s32 $0xF0, s9;
	[tilespmem:s24+$0xFFFFFFF0] =	vst v34;
	vm2 =	vgt.f32 v15, v14;
	v17 =	vmul.f32 v57, v27;
	v61 =	vmul.f32 v59, v63;
	v62 =	vpop (erf)  }
0x1bc: {  	[tilespmem:s24+$0x40] =	vst v12;
	v14 =	vmax.f32 v14, v15;
	v11 =	vsel vm2, s18, v11;
	v12 =	vmul.f32 v62, v24  }
0x1bd: {  	[tilespmem:s24+$0x20] =	vst v21;
	v63 =	vsel vm1, $0xBF800000, v56;
	vm2 =	vgt.f32 v17, $6.999999880e-01;
	vm1 =	vgt.f32 v61, $6.999999880e-01  }
0x1be: {  	p3 =	slt.u32 s9, $0x140;
	[tilespmem:s24+$0x50] =	vst v15;
	v13 =	vsel vm2, $0xBF800000, v13;
	v15 =	vsel vm1, $0xBF800000, v58;
	vm1 =	vgt.f32 v12, $6.999999880e-01  }
.Ltmp1:
0x1bf: {  	s1 =	sadd.s32 $0x140, s1;
	s20 =	sadd.s32 $0x100, s9;
	[tilespmem:s24+$0x30] =	vst v54;
	v12 =	vsel vm1, $0xBF800000, v60;
	vm1 =	vgt.f32 v63, v14;
	v14 =	vmax.f32 v14, v63;
	(pc) =	sbr.rel @p3 .LBB2_5-.Ltmp1, $4  }
0x1c0: {  	s8 =	sadd.s32 $0x100, s8;
	s23 =	sadd.s32 $0x140, s23;
	s14 =	sadd.s32 $0x110, s9;
	[tilespmem:s24+$0x70] =	vst v13;
	v11 =	vsel vm1, s20, v11;
	vm1 =	vgt.f32 v13, v14;
	v13 =	vmax.f32 v14, v13  }
0x1c1: {  	s7 =	sadd.s32 $0x140, s7;
	s28 =	sadd.s32 $0x140, s28;
	s15 =	sadd.s32 $0x120, s9;
	[tilespmem:s13+$0xA00] =	vst v63;
	v11 =	vsel vm1, s14, v11;
	vm1 =	vgt.f32 v15, v13;
	v13 =	vmax.f32 v13, v15  }
0x1c2: {  	s6 =	sadd.s32 $0x140, s6;
	s26 =	sadd.s32 $0x140, s26;
	s21 =	sadd.s32 $0x130, s9;
	[tilespmem:s24+$0x80] =	vst v15;
	v11 =	vsel vm1, s15, v11;
	vm1 =	vgt.f32 v12, v13  }
0x1c3: {  	s25 =	sadd.s32 $0x140, s25;
	s9 =	sadd.s32 $0x140, s9;
	[tilespmem:s24+$0x90] =	vst v12;
	s24 =	sadd.s32 $0x140, s24;
	v12 =	vmax.f32 v13, v12;
	v13 =	vsel vm1, s21, v11  }
0x1c4: {  	(xrf0) =	vmax.scan.msk.f32 $0xffff, v5;
	_ =	sdelay $0x5  }
0x1c5: {  	v5, _, _ =	vpop (xrf0)  }
0x1c6: {  	(v2sf) =	vpush v5, $0xF;
	_ =	sdelay $0xe  }
0x1c7: {  	s1 =	spop (v2sf)  }
0x1c8: {  	p3 =	sgt.f32 s1, $-5.000000000e-01  }
0x1c9: {  	p4 =	slt.s32 s0, s2  }
0x1ca: {  	p3 =	por !p4, !p3  }
0x1cb: {  	p3 =	por !p3, !p3  }
0x1cc: {  	p4 =	por !p3, p0  }
0x1cd: {  	s1 =	sand.u32 @!p4 $0xFFFFFFF0, s0  }
0x1ce: {  	v5 =	vld @!p4 [tilespmem:s1+$0xD00]  }
0x1cf: {  	v10 =	vld @!p4 [tilespmem:s1+$0xD80]  }
0x1d0: {  	s4 =	sand.u32 @!p4 $0xF, s0;
	v11 =	vld @!p4 [tilespmem:s1+$0xE00]  }
0x1d1: {  	v15 =	vlaneseq.u32 @!p4;
	v14 =	vmov @!p4 s4;
	v16 =	vld @!p4 [tilespmem:s1+$0xE80]  }
0x1d2: {  	vm1 =	veq.s32 @!p4 v14, v15  }
0x1d3: {  	v5 =	vsel @!p4 vm1, v6, v5  }
0x1d4: {  	[tilespmem:s1+$0xD00] =	vst @!p4 v5;
	v5 =	vsel @!p4 vm1, v7, v10  }
0x1d5: {  	[tilespmem:s1+$0xD80] =	vst @!p4 v5;
	v5 =	vsel @!p4 vm1, v9, v11  }
0x1d6: {  	[tilespmem:s1+$0xE00] =	vst @!p4 v5;
	v5 =	vsel @!p4 vm1, v8, v16  }
0x1d7: {  	[tilespmem:s1+$0xE80] =	vst @!p4 v5  }
0x1d8: {  	v5 =	vld [tilespmem:s12+$0x1060];
	_ =	sdelay $0x4  }
0x1d9: {  	(xrf0) =	vmax.scan.msk.f32 $0xffff, v5;
	_ =	sdelay $0x5  }
0x1da: {  	v5, _, _ =	vpop (xrf0)  }
0x1db: {  	(v2sf) =	vpush v5, $0xF;
	_ =	sdelay $0xe  }
0x1dc: {  	s28 =	spop (v2sf)  }
0x1dd: {  	p5 =	sgt.f32 s28, $5.000000000e-01  }
0x1de: {  	s1 =	simm.s32 $0x1  }
0x1df: {  	s1 =	simm.s32 @!p3 $0x0;
	p4 =	por p2, p5  }
.Ltmp2:
0x1e0: {  	s0 =	sadd.s32 s1, s0;
	(pc) =	sbr.rel @p4 .LBB2_4-.Ltmp2, $4  }
0x1e1: {  	p6 =	slt.s32 s0, s2  }
0x1e2: {  	p3 =	por !p3, !p6  }
0x1e3: {  	p3 =	por !p3, !p3  }
0x1e4: {  	p1 =	por !p1, !p1;
	p2 =	por p3, p3  }
0x1e5: {  	s1 =	simm.s32 @!p0 $0x0;
	s2 =	simm.s32 @!p0 $0xD00;
	s4 =	rddreg [dreg:$0xa]  }
0x1e6: {  	[hbm4b:s4+s1] =	stream.linear.scatter @!p0 [tilespmem:s2], [sflag:$0x1], $0x80, $0x38;
	[tilespmem:$0x1A60] =	vst v63  }
0x1e7: {  	s2 =	simm.s32 @!p0 $0x1  }
0x1e8: {  	_ =	swait.ge @!p0 [sflag:s2], $0x80  }
0x1e9: {  	[sflag:s2] =	ssyncset.done @!p0 $0x0  }
0x1ea: {  	s4 =	simm.s32 @!p0 $0xD80;
	s6 =	rddreg [dreg:$0xb];
	[sflag:s2] =	ssyncadd.s32 @!p0 $0xFFFFFF80  }
0x1eb: {  	[hbm4b:s6+s1] =	stream.linear.scatter @!p0 [tilespmem:s4], [sflag:$0x1], $0x80, $0x38;
	[tilespmem:$0x1A60] =	vst v63  }
0x1ec: {  	_ =	swait.ge @!p0 [sflag:s2], $0x80  }
0x1ed: {  	[sflag:s2] =	ssyncset.done @!p0 $0x0  }
0x1ee: {  	s4 =	simm.s32 @!p0 $0xE00;
	s6 =	rddreg [dreg:$0xc];
	[sflag:s2] =	ssyncadd.s32 @!p0 $0xFFFFFF80  }
0x1ef: {  	[hbm4b:s6+s1] =	stream.linear.scatter @!p0 [tilespmem:s4], [sflag:$0x1], $0x80, $0x38;
	[tilespmem:$0x1A60] =	vst v63  }
0x1f0: {  	_ =	swait.ge @!p0 [sflag:s2], $0x80  }
0x1f1: {  	[sflag:s2] =	ssyncset.done @!p0 $0x0  }
0x1f2: {  	s4 =	simm.s32 @!p0 $0xE80;
	s6 =	rddreg [dreg:$0xd];
	[sflag:s2] =	ssyncadd.s32 @!p0 $0xFFFFFF80  }
0x1f3: {  	[hbm4b:s6+s1] =	stream.linear.scatter @!p0 [tilespmem:s4], [sflag:$0x1], $0x80, $0x38;
	[tilespmem:$0x1A60] =	vst v63  }
0x1f4: {  	_ =	swait.ge @!p0 [sflag:s2], $0x80  }
0x1f5: {  	[sflag:s2] =	ssyncset.done @!p0 $0x0  }
0x1f6: {  	v5 =	vmov @!p0 s0;
	[sflag:s2] =	ssyncadd.s32 @!p0 $0xFFFFFF80  }
0x1f7: {  	s0 =	simm.s32 @!p0 $0xF00;
	s4 =	rddreg [dreg:$0xe];
	[tilespmem:$0xF00] =	vst @!p0 v5  }
0x1f8: {  	[hbm4b:s4+s1] =	stream.linear.scatter @!p0 [tilespmem:s0], [sflag:$0x1], $0x80, $0x38;
	[tilespmem:$0x1A60] =	vst v63  }
0x1f9: {  	_ =	swait.ge @!p0 [sflag:s2], $0x80  }
0x1fa: {  	s31 =	sadd.s32 $0x1, s31;
	s28 =	rddreg [dreg:$0xf]  }
0x1fb: {  	p1 =	sne.s32 s31, s28  }
.Ltmp3:
0x1fc: {  	_ = 	snop;
	(pc) =	sbr.rel @p1 .LBB2_1-.Ltmp3, $3  }
0x1fd: {  	_ =	sdelay $0x1  }
0x1fe: {  	[sflag:s2] =	ssyncset.done @!p0 $0x0  }
0x1ff: {  	[sflag:s2] =	ssyncadd.s32 @!p0 $0xFFFFFF80  }
0x200: {  	_ =	sfence.sel $0x180000  }
0x201: {  	[bflag:$0x0] =	sbarrier.arrive $0xFFFF  }
0x202: {  	_ =	strace $0x90000047  }
0x203: {  	s0 =	stileid.u32;
	[bflag:$0x2] =	sbarrier.arrive $0xFFFF  }
0x204: {  	p0 =	sne.s32 s0, $0x0;
	s0 =	rddreg [dreg:$0x4]  }
0x205: {  	s0 =	sadd.s32 @!p0 $0x100000, s0  }
0x206: {  	[sflag:s0] =	ssyncadd.tile.s32 @!p0 $0x1;
	_ =	shalt  }
.Lfunc_end2:
_tile_overlayer_lowered:
.L_overlay_start_2:
0x207: {  	(tag) =	ssettag $0x2  }
0x208: {  	s0 =	rddreg [dreg:$0x0];
	s2 =	stileid.u32  }
0x209: {  	s1 =	rddreg [dreg:$0x1];
	p0 =	sne.s32 s2, $0x0  }
0x20a: {  	s3 =	rddreg [dreg:$0x2];
	[bflag:$0x3] =	sbarrier.arrive $0xFFFF;
	s2 =	simm.s32 @!p0 $0x1C01  }
0x20b: {  	[timem:s3], [sflag:s2] =	dma.local @!p0 [hbm:s0], s1  }
0x20c: {  	s0 =	simm.s32 @!p0 $0x1  }
0x20d: {  	_ =	swait.ge @!p0 [sflag:s0], s1  }
0x20e: {  	s1 =	ssub.s32 @!p0 $0x0, s1;
	[sflag:s0] =	ssyncset.done @!p0 $0x0  }
0x20f: {  	[sflag:s0] =	ssyncadd.s32 @!p0 s1  }
0x210: {  	[bflag:$0x3] =	sbarrier.arrive $0xFFFF  }
0x211: {  	_ =	shalt  }

</sc_bundles>
